<compile_context>
chip_gen: v7x
topology: tpu7x:2x2x1
jax: 0.10.2.dev20260603
libtpu: 0.0.44.dev20260713+nightly
codegen_flags: <defaults>
</compile_context>

<pallas_src>
import functools

import jax
import jax.numpy as jnp
from jax import lax
from jax.experimental import pallas as pl
from jax.experimental.pallas import tpu as pltpu
from jax.experimental.pallas import tpu_sc as plsc

D_MODEL = 2048
D_HIDDEN = 8192
N_EXPERTS = 8
N_TOKENS = 4096
CAP = 641
CAPP = 648
DROP_SLOT = CAP
WLANES = 128
D_AUG = D_MODEL + 2 * WLANES

TB = 256
NB = N_TOKENS // TB
HB = 1024
NHB = D_HIDDEN // HB

NW = 32
TPW = N_TOKENS // NW
SUB = 32
NSUB = TPW // SUB


def _router_kernel(h_ref, wr_ref, br_ref, haug_ref, slot_ref, aux_ref,
                   carry_ref, imp_ref, load_ref):
    b = pl.program_id(0)

    @pl.when(b == 0)
    def _init():
        carry_ref[...] = jnp.zeros_like(carry_ref)
        imp_ref[...] = jnp.zeros_like(imp_ref)
        load_ref[...] = jnp.zeros_like(load_ref)

    h = h_ref[...]
    logits = lax.dot_general(
        h, wr_ref[...], (((1,), (1,)), ((), ())),
        preferred_element_type=jnp.float32) + br_ref[...]

    m = jnp.max(logits, axis=1, keepdims=True)
    ex = jnp.exp(logits - m)
    probs = ex / jnp.sum(ex, axis=1, keepdims=True)

    iota_e = lax.broadcasted_iota(jnp.int32, (TB, N_EXPERTS), 1)
    is_max = logits == m
    top1 = jnp.min(jnp.where(is_max, iota_e, N_EXPERTS),
                   axis=1, keepdims=True)
    assign = (iota_e == top1).astype(jnp.float32)

    r_io = lax.broadcasted_iota(jnp.int32, (TB, TB), 0)
    c_io = lax.broadcasted_iota(jnp.int32, (TB, TB), 1)
    tri = (r_io >= c_io).astype(jnp.bfloat16)
    pos = lax.dot_general(
        tri, assign.astype(jnp.bfloat16), (((1,), (0,)), ((), ())),
        preferred_element_type=jnp.float32) + carry_ref[...]
    pos_tok = jnp.sum(assign * pos, axis=1, keepdims=True) - 1.0
    keep = pos_tok < float(CAP)

    w_tok = jnp.sum(probs * assign, axis=1, keepdims=True)
    w_eff = jnp.where(keep, w_tok, 0.0)
    w_hi = w_eff.astype(jnp.bfloat16)
    w_lo = (w_eff - w_hi.astype(jnp.float32)).astype(jnp.bfloat16)
    slot = jnp.where(keep,
                     top1 * CAPP + pos_tok.astype(jnp.int32),
                     DROP_SLOT)

    haug_ref[:, 0:D_MODEL] = h.astype(jnp.bfloat16)
    haug_ref[:, D_MODEL:D_MODEL + WLANES] = jnp.broadcast_to(w_hi, (TB, WLANES))
    haug_ref[:, D_MODEL + WLANES:D_AUG] = jnp.broadcast_to(w_lo, (TB, WLANES))
    slot_ref[...] = slot

    carry_ref[...] = carry_ref[...] + jnp.sum(assign, axis=0, keepdims=True)
    imp_ref[...] = imp_ref[...] + jnp.sum(probs, axis=0, keepdims=True)
    load_ref[...] = load_ref[...] + jnp.sum(assign, axis=0, keepdims=True)

    @pl.when(b == NB - 1)
    def _finish():
        imp = imp_ref[...] / float(N_TOKENS)
        load = load_ref[...] / float(N_TOKENS)
        lb = float(N_EXPERTS) * jnp.sum(imp * load)
        aux_ref[...] = jnp.full((1, 1), 0.01, jnp.float32) * lb


def _router(h, wr, br2d):
    return pl.pallas_call(
        _router_kernel,
        grid=(NB,),
        in_specs=[
            pl.BlockSpec((TB, D_MODEL), lambda b: (b, 0)),
            pl.BlockSpec((N_EXPERTS, D_MODEL), lambda b: (0, 0)),
            pl.BlockSpec((1, N_EXPERTS), lambda b: (0, 0)),
        ],
        out_specs=[
            pl.BlockSpec((TB, D_AUG), lambda b: (b, 0)),
            pl.BlockSpec((TB, 1), lambda b: (b, 0)),
            pl.BlockSpec((1, 1), lambda b: (0, 0)),
        ],
        out_shape=[
            jax.ShapeDtypeStruct((N_TOKENS, D_AUG), jnp.bfloat16),
            jax.ShapeDtypeStruct((N_TOKENS, 1), jnp.int32),
            jax.ShapeDtypeStruct((1, 1), jnp.float32),
        ],
        scratch_shapes=[
            pltpu.VMEM((1, N_EXPERTS), jnp.float32),
            pltpu.VMEM((1, N_EXPERTS), jnp.float32),
            pltpu.VMEM((1, N_EXPERTS), jnp.float32),
        ],
    )(h, wr, br2d)


def _dispatch_sc(h_aug, slot3d):
    mesh = plsc.VectorSubcoreMesh(core_axis_name="c", subcore_axis_name="s")

    @functools.partial(
        pl.kernel, mesh=mesh,
        out_type=jax.ShapeDtypeStruct((N_EXPERTS * CAPP, D_AUG // 2),
                                      jnp.int32),
        scratch_types=[
            pltpu.VMEM((NSUB, SUB), jnp.int32),
            pltpu.VMEM((SUB, D_AUG // 2), jnp.int32),
            pltpu.SemaphoreType.DMA,
        ],
    )
    def k(haug_hbm, slot_hbm, xe_hbm, idx_v, rows_v, sem):
        wid = lax.axis_index("s") * 2 + lax.axis_index("c")
        pltpu.sync_copy(slot_hbm.at[wid], idx_v)
        for j in range(NSUB):
            base = wid * TPW + j * SUB
            pltpu.sync_copy(haug_hbm.at[pl.ds(base, SUB)], rows_v)
            pltpu.async_copy(rows_v, xe_hbm.at[idx_v.at[j]], sem).wait()

    return k(h_aug, slot3d)


def _mlp_kernel(x_ref, w1_ref, b1_ref, w2_ref, b2_ref, y_ref):
    hb = pl.program_id(1)

    xb = x_ref[:, 0:D_MODEL]
    w1b = w1_ref[0].astype(jnp.bfloat16)
    he = lax.dot_general(
        xb, w1b, (((1,), (1,)), ((), ())),
        preferred_element_type=jnp.float32)
    he = jax.nn.gelu(he + b1_ref[0])
    w2b = w2_ref[0].astype(jnp.bfloat16)
    part = lax.dot_general(
        he.astype(jnp.bfloat16), w2b, (((1,), (1,)), ((), ())),
        preferred_element_type=jnp.float32)

    @pl.when(hb == 0)
    def _first():
        y_ref[...] = part

    @pl.when(hb > 0)
    def _rest():
        y_ref[...] += part

    @pl.when(hb == NHB - 1)
    def _finish():
        w_hi = jnp.max(x_ref[:, D_MODEL:D_MODEL + WLANES].astype(
            jnp.float32), axis=1, keepdims=True)
        w_lo = jnp.max(x_ref[:, D_MODEL + WLANES:D_AUG].astype(
            jnp.float32), axis=1, keepdims=True)
        wcol = w_hi + w_lo
        y_ref[...] = (y_ref[...] + b2_ref[0]) * wcol


def _expert_mlp(xe_all, w1, b1, w2, b2):
    return pl.pallas_call(
        _mlp_kernel,
        grid=(N_EXPERTS, NHB),
        in_specs=[
            pl.BlockSpec((CAPP, D_AUG), lambda e, hb: (e, 0)),
            pl.BlockSpec((1, HB, D_MODEL), lambda e, hb: (e, hb, 0)),
            pl.BlockSpec((1, 1, HB), lambda e, hb: (e * NHB + hb, 0, 0)),
            pl.BlockSpec((1, D_MODEL, HB), lambda e, hb: (e, 0, hb)),
            pl.BlockSpec((1, 1, D_MODEL), lambda e, hb: (e, 0, 0)),
        ],
        out_specs=pl.BlockSpec((CAPP, D_MODEL), lambda e, hb: (e, 0)),
        out_shape=jax.ShapeDtypeStruct((N_EXPERTS * CAPP, D_MODEL),
                                       jnp.float32),
        compiler_params=pltpu.CompilerParams(
            dimension_semantics=("arbitrary", "arbitrary"),
            vmem_limit_bytes=62 * 1024 * 1024,
        ),
    )(xe_all, w1, b1.reshape(N_EXPERTS * NHB, 1, HB),
      w2, b2.reshape(N_EXPERTS, 1, D_MODEL))


def _combine_sc(ye_all, slot3d):
    mesh = plsc.VectorSubcoreMesh(core_axis_name="c", subcore_axis_name="s")

    @functools.partial(
        pl.kernel, mesh=mesh,
        out_type=jax.ShapeDtypeStruct((N_TOKENS, D_MODEL), jnp.float32),
        scratch_types=[
            pltpu.VMEM((NSUB, SUB), jnp.int32),
            pltpu.VMEM((SUB, D_MODEL), jnp.float32),
            pltpu.SemaphoreType.DMA,
        ],
    )
    def k(ye_hbm, slot_hbm, out_hbm, idx_v, rows_v, sem):
        wid = lax.axis_index("s") * 2 + lax.axis_index("c")
        pltpu.sync_copy(slot_hbm.at[wid], idx_v)
        for j in range(NSUB):
            base = wid * TPW + j * SUB
            pltpu.async_copy(ye_hbm.at[idx_v.at[j]], rows_v, sem).wait()
            pltpu.sync_copy(rows_v, out_hbm.at[pl.ds(base, SUB)])

    return k(ye_all, slot3d)


def kernel(x, Wr, br, W1, b1, W2, b2):
    Bv, Tv, Dv = x.shape
    h = x.reshape(Bv * Tv, Dv)
    h_aug, slot, aux = _router(h, Wr, br.reshape(1, N_EXPERTS))
    slot3d = slot.reshape(NW, NSUB, SUB)
    haug_i32 = lax.bitcast_convert_type(
        h_aug.reshape(N_TOKENS, D_AUG // 2, 2), jnp.int32)
    xe_i32 = _dispatch_sc(haug_i32, slot3d)
    xe_all = lax.bitcast_convert_type(
        xe_i32, jnp.bfloat16).reshape(N_EXPERTS * CAPP, D_AUG)
    ye_all = _expert_mlp(xe_all, W1, b1, W2, b2)
    out = _combine_sc(ye_all, slot3d)
    return out.reshape(Bv, Tv, Dv), aux.reshape(())

# --- scband reference (transcript-rebuilt; emitter-appended) ---
"""Pipeline reference for scband-mo-emlp-49520972923489 (READ-ONLY COPY).

The authoritative reference and input builder live on the scoring server;
editing this copy changes nothing except your own understanding.
"""

import jax, jax.numpy as jnp
import numpy as np

D_MODEL = 2048
D_HIDDEN = 8192
N_EXPERTS = 8
CAPACITY_FACTOR = 1.25
LBL_COEF = 0.01
ZLOSS_COEF = 0.0
B, T = 2, 2048


def setup_inputs(seed: int = 0):
    key = jax.random.key(seed)
    ks = jax.random.split(key, 4)
    x = jax.random.normal(ks[0], (B, T, D_MODEL), dtype=jnp.float32)
    Wr = jax.random.normal(ks[1], (N_EXPERTS, D_MODEL), dtype=jnp.float32) * 0.02
    br = jnp.zeros((N_EXPERTS,), dtype=jnp.float32)
    W1 = jax.random.normal(ks[2], (N_EXPERTS, D_HIDDEN, D_MODEL), dtype=jnp.float32) * 0.02
    b1 = jnp.zeros((N_EXPERTS, D_HIDDEN), dtype=jnp.float32)
    W2 = jax.random.normal(ks[3], (N_EXPERTS, D_MODEL, D_HIDDEN), dtype=jnp.float32) * 0.02
    b2 = jnp.zeros((N_EXPERTS, D_MODEL), dtype=jnp.float32)
    return {"x": x, "Wr": Wr, "br": br, "W1": W1, "b1": b1, "W2": W2, "b2": b2}


def _moe_forward(x, Wr, br, W1, b1, W2, b2):
    B_, T_, D = x.shape
    N = B_ * T_
    E = Wr.shape[0]
    cap = int(CAPACITY_FACTOR * (N / E) + 1)
    h = x.reshape(N, D)
    # --- Top1Router ---
    logits = h @ Wr.T + br
    probs = jax.nn.softmax(logits, axis=-1)
    top1 = jnp.argmax(probs, axis=-1)
    w = jnp.take_along_axis(probs, top1[:, None], axis=1)  # [N,1]
    assign = jax.lax.stop_gradient(jax.nn.one_hot(top1, E, dtype=jnp.float32))
    importance = jnp.mean(probs, axis=0)
    load = jnp.mean(assign, axis=0)
    lb_loss = E * jnp.sum(importance * load)
    z_loss = jnp.mean(jax.nn.logsumexp(logits, axis=-1) ** 2)
    # --- capacity-constrained dispatch (first-come-first-served in token order,
    # equivalent to torch idx[:cap]) ---
    pos = jnp.cumsum(assign, axis=0)  # [N,E]
    pos_tok = (jnp.take_along_axis(pos, top1[:, None], axis=1)[:, 0] - 1.0).astype(jnp.int32)
    keep = pos_tok < cap
    slot = jnp.where(keep, top1.astype(jnp.int32) * cap + pos_tok, E * cap)
    buf = jnp.zeros((E * cap + 1,), dtype=jnp.int32).at[slot].set(jnp.arange(N, dtype=jnp.int32))
    vmask = jnp.zeros((E * cap + 1,), dtype=jnp.float32).at[slot].set(1.0)
    dispatch = buf[: E * cap].reshape(E, cap)
    valid = vmask[: E * cap].reshape(E, cap)
    out = jnp.zeros((N, D), dtype=x.dtype)
    for e in range(E):
        idx = dispatch[e]
        xe = h[idx]  # [cap, D] gather
        he = jax.nn.gelu(xe @ W1[e].T + b1[e])
        ye = he @ W2[e].T + b2[e]
        we = w[idx]  # [cap, 1]
        out = out.at[idx].add(ye * we * valid[e][:, None])  # scatter-add (each token written at most once)
    y = out.reshape(B_, T_, D)
    aux = LBL_COEF * lb_loss + ZLOSS_COEF * z_loss
    return y, aux


def reference(x, Wr, br, W1, b1, W2, b2):
    return _moe_forward(x, Wr, br, W1, b1, W2, b2)

if __name__ == "__main__":
    import jax
    _d = setup_inputs()
    print(jax.jit(kernel)(*tuple(_d.values())))

</pallas_src>

<mosaic_0001>
#map = affine_map<(d0, d1) -> (0, 0)>
#map1 = affine_map<(d0, d1) -> (0, 0, 0)>
module attributes {stable_mosaic.version = 14 : i64} {
  func.func @k(%arg0: i32, %arg1: i32, %arg2: memref<4096x1152xi32, #tpu.memory_space<hbm>>, %arg3: memref<32x4x32xi32, #tpu.memory_space<hbm>>, %arg4: memref<5184x1152xi32, #tpu.memory_space<hbm>>, %arg5: memref<4x32xi32, #tpu.memory_space<vmem>>, %arg6: memref<32x1152xi32, #tpu.memory_space<vmem>>, %arg7: memref<!tpu.dma_semaphore, #tpu.memory_space<semaphore_mem>>) attributes {dimension_semantics = [#tpu.dimension_semantics<core_parallel>, #tpu.dimension_semantics<subcore_parallel>], iteration_bounds = array<i64: 2, 16>, scalar_prefetch = 0 : i64, scratch_operands = 3 : i64, tpu.core_type = #tpu.core_type<sc_vector_subcore>, window_params = [{transform_indices = #map}, {transform_indices = #map1}, {transform_indices = #map}]} {
    %mul3A = arith.constant 2 : i32
    %mul3A_0 = arith.muli %arg1, %mul3A : i32
    %add3A = arith.addi %mul3A_0, %arg0 : i32
    "tpu.region"() ({
      %run_scoped3A = tpu.sem_alloc : memref<!tpu.dma_semaphore, #tpu.memory_space<semaphore_mem>>
      %dma_start3A_71 = arith.constant 0 : i32
      %dma_start3A_72 = arith.constant 0 : i32
      %dma_start3A_73 = tpu.memref_slice %arg3[%add3A, %dma_start3A_71, %dma_start3A_72] : memref<32x4x32xi32, #tpu.memory_space<hbm>> -> memref<1x4x32xi32, #tpu.memory_space<hbm>>
      %dma_start3A_74 = tpu.memref_squeeze %dma_start3A_73 : memref<1x4x32xi32, #tpu.memory_space<hbm>> -> memref<4x32xi32, #tpu.memory_space<hbm>>
      %dma_start3A_75 = arith.constant 0 : i32
      %dma_start3A_76 = arith.constant 0 : i32
      %dma_start3A_77 = tpu.memref_slice %arg3[%add3A, %dma_start3A_75, %dma_start3A_76] : memref<32x4x32xi32, #tpu.memory_space<hbm>> -> memref<1x4x32xi32, #tpu.memory_space<hbm>>
      %dma_start3A_78 = tpu.memref_squeeze %dma_start3A_77 : memref<1x4x32xi32, #tpu.memory_space<hbm>> -> memref<4x32xi32, #tpu.memory_space<hbm>>
      tpu.enqueue_dma source(%dma_start3A_78 : memref<4x32xi32, #tpu.memory_space<hbm>>) target(%arg5 : memref<4x32xi32, #tpu.memory_space<vmem>>) target_semaphore(%run_scoped3A : memref<!tpu.dma_semaphore, #tpu.memory_space<semaphore_mem>>)
      %dma_wait3A_79 = arith.constant 0 : i32
      %dma_wait3A_80 = arith.constant 0 : i32
      %dma_wait3A_81 = tpu.memref_slice %arg3[%add3A, %dma_wait3A_79, %dma_wait3A_80] : memref<32x4x32xi32, #tpu.memory_space<hbm>> -> memref<1x4x32xi32, #tpu.memory_space<hbm>>
      %dma_wait3A_82 = tpu.memref_squeeze %dma_wait3A_81 : memref<1x4x32xi32, #tpu.memory_space<hbm>> -> memref<4x32xi32, #tpu.memory_space<hbm>>
      %dma_wait3A_83 = arith.constant 0 : i32
      %dma_wait3A_84 = arith.constant 0 : i32
      %dma_wait3A_85 = tpu.memref_slice %arg3[%add3A, %dma_wait3A_83, %dma_wait3A_84] : memref<32x4x32xi32, #tpu.memory_space<hbm>> -> memref<1x4x32xi32, #tpu.memory_space<hbm>>
      %dma_wait3A_86 = tpu.memref_squeeze %dma_wait3A_85 : memref<1x4x32xi32, #tpu.memory_space<hbm>> -> memref<4x32xi32, #tpu.memory_space<hbm>>
      tpu.wait_dma2 semaphore(%run_scoped3A : memref<!tpu.dma_semaphore, #tpu.memory_space<semaphore_mem>>) src(%dma_wait3A_86 : memref<4x32xi32, #tpu.memory_space<hbm>>) dst(%arg5 : memref<4x32xi32, #tpu.memory_space<vmem>>)
      tpu.yield
    }) : () -> ()
    %mul3A_1 = arith.constant 128 : i32
    %mul3A_2 = arith.muli %add3A, %mul3A_1 : i32
    %add3A_3 = arith.constant 0 : i32
    %add3A_4 = arith.addi %mul3A_2, %add3A_3 : i32
    "tpu.region"() ({
      %run_scoped3A = tpu.sem_alloc : memref<!tpu.dma_semaphore, #tpu.memory_space<semaphore_mem>>
      %dma_start3A_71 = arith.constant 0 : i32
      %dma_start3A_72 = tpu.memref_slice %arg2[%add3A_4, %dma_start3A_71] : memref<4096x1152xi32, #tpu.memory_space<hbm>> -> memref<32x1152xi32, #tpu.memory_space<hbm>>
      %dma_start3A_73 = arith.constant 0 : i32
      %dma_start3A_74 = tpu.memref_slice %arg2[%add3A_4, %dma_start3A_73] : memref<4096x1152xi32, #tpu.memory_space<hbm>> -> memref<32x1152xi32, #tpu.memory_space<hbm>>
      tpu.enqueue_dma source(%dma_start3A_74 : memref<32x1152xi32, #tpu.memory_space<hbm>>) target(%arg6 : memref<32x1152xi32, #tpu.memory_space<vmem>>) target_semaphore(%run_scoped3A : memref<!tpu.dma_semaphore, #tpu.memory_space<semaphore_mem>>)
      %dma_wait3A_75 = arith.constant 0 : i32
      %dma_wait3A_76 = tpu.memref_slice %arg2[%add3A_4, %dma_wait3A_75] : memref<4096x1152xi32, #tpu.memory_space<hbm>> -> memref<32x1152xi32, #tpu.memory_space<hbm>>
      %dma_wait3A_77 = arith.constant 0 : i32
      %dma_wait3A_78 = tpu.memref_slice %arg2[%add3A_4, %dma_wait3A_77] : memref<4096x1152xi32, #tpu.memory_space<hbm>> -> memref<32x1152xi32, #tpu.memory_space<hbm>>
      tpu.wait_dma2 semaphore(%run_scoped3A : memref<!tpu.dma_semaphore, #tpu.memory_space<semaphore_mem>>) src(%dma_wait3A_78 : memref<32x1152xi32, #tpu.memory_space<hbm>>) dst(%arg6 : memref<32x1152xi32, #tpu.memory_space<vmem>>)
      tpu.yield
    }) : () -> ()
    %dma_start3A = arith.constant 0 : i32
    %dma_start3A_5 = arith.constant 0 : i32
    %dma_start3A_6 = tpu.memref_slice %arg5[%dma_start3A, %dma_start3A_5] : memref<4x32xi32, #tpu.memory_space<vmem>> -> memref<1x32xi32, #tpu.memory_space<vmem>>
    %dma_start3A_7 = tpu.memref_squeeze %dma_start3A_6 : memref<1x32xi32, #tpu.memory_space<vmem>> -> memref<32xi32, #tpu.memory_space<vmem>>
    %dma_start3A_8 = arith.constant 0 : i32
    %dma_start3A_9 = arith.constant 0 : i32
    %dma_start3A_10 = tpu.memref_slice %arg4[%dma_start3A_8, %dma_start3A_9] : memref<5184x1152xi32, #tpu.memory_space<hbm>> -> memref<5184x1152xi32, #tpu.memory_space<hbm>>
    tpu.enqueue_indirect_dma source(%arg6 : memref<32x1152xi32, #tpu.memory_space<vmem>>) target(%dma_start3A_10 : memref<5184x1152xi32, #tpu.memory_space<hbm>>) offsets(%dma_start3A_7 : memref<32xi32, #tpu.memory_space<vmem>>) semaphore(%arg7 : memref<!tpu.dma_semaphore, #tpu.memory_space<semaphore_mem>>)
    %dma_wait3A = arith.constant 0 : i32
    %dma_wait3A_11 = arith.constant 0 : i32
    %dma_wait3A_12 = tpu.memref_slice %arg5[%dma_wait3A, %dma_wait3A_11] : memref<4x32xi32, #tpu.memory_space<vmem>> -> memref<1x32xi32, #tpu.memory_space<vmem>>
    %dma_wait3A_13 = tpu.memref_squeeze %dma_wait3A_12 : memref<1x32xi32, #tpu.memory_space<vmem>> -> memref<32xi32, #tpu.memory_space<vmem>>
    %dma_wait3A_14 = arith.constant 0 : i32
    %dma_wait3A_15 = arith.constant 0 : i32
    %dma_wait3A_16 = tpu.memref_slice %arg4[%dma_wait3A_14, %dma_wait3A_15] : memref<5184x1152xi32, #tpu.memory_space<hbm>> -> memref<5184x1152xi32, #tpu.memory_space<hbm>>
    tpu.wait_indirect_dma semaphore(%arg7 : memref<!tpu.dma_semaphore, #tpu.memory_space<semaphore_mem>>) src(%arg6 : memref<32x1152xi32, #tpu.memory_space<vmem>>) dst(%dma_wait3A_16 : memref<5184x1152xi32, #tpu.memory_space<hbm>>)
    %mul3A_17 = arith.constant 128 : i32
    %mul3A_18 = arith.muli %add3A, %mul3A_17 : i32
    %add3A_19 = arith.constant 32 : i32
    %add3A_20 = arith.addi %mul3A_18, %add3A_19 : i32
    "tpu.region"() ({
      %run_scoped3A = tpu.sem_alloc : memref<!tpu.dma_semaphore, #tpu.memory_space<semaphore_mem>>
      %dma_start3A_71 = arith.constant 0 : i32
      %dma_start3A_72 = tpu.memref_slice %arg2[%add3A_20, %dma_start3A_71] : memref<4096x1152xi32, #tpu.memory_space<hbm>> -> memref<32x1152xi32, #tpu.memory_space<hbm>>
      %dma_start3A_73 = arith.constant 0 : i32
      %dma_start3A_74 = tpu.memref_slice %arg2[%add3A_20, %dma_start3A_73] : memref<4096x1152xi32, #tpu.memory_space<hbm>> -> memref<32x1152xi32, #tpu.memory_space<hbm>>
      tpu.enqueue_dma source(%dma_start3A_74 : memref<32x1152xi32, #tpu.memory_space<hbm>>) target(%arg6 : memref<32x1152xi32, #tpu.memory_space<vmem>>) target_semaphore(%run_scoped3A : memref<!tpu.dma_semaphore, #tpu.memory_space<semaphore_mem>>)
      %dma_wait3A_75 = arith.constant 0 : i32
      %dma_wait3A_76 = tpu.memref_slice %arg2[%add3A_20, %dma_wait3A_75] : memref<4096x1152xi32, #tpu.memory_space<hbm>> -> memref<32x1152xi32, #tpu.memory_space<hbm>>
      %dma_wait3A_77 = arith.constant 0 : i32
      %dma_wait3A_78 = tpu.memref_slice %arg2[%add3A_20, %dma_wait3A_77] : memref<4096x1152xi32, #tpu.memory_space<hbm>> -> memref<32x1152xi32, #tpu.memory_space<hbm>>
      tpu.wait_dma2 semaphore(%run_scoped3A : memref<!tpu.dma_semaphore, #tpu.memory_space<semaphore_mem>>) src(%dma_wait3A_78 : memref<32x1152xi32, #tpu.memory_space<hbm>>) dst(%arg6 : memref<32x1152xi32, #tpu.memory_space<vmem>>)
      tpu.yield
    }) : () -> ()
    %dma_start3A_21 = arith.constant 1 : i32
    %dma_start3A_22 = arith.constant 0 : i32
    %dma_start3A_23 = tpu.memref_slice %arg5[%dma_start3A_21, %dma_start3A_22] : memref<4x32xi32, #tpu.memory_space<vmem>> -> memref<1x32xi32, #tpu.memory_space<vmem>>
    %dma_start3A_24 = tpu.memref_squeeze %dma_start3A_23 : memref<1x32xi32, #tpu.memory_space<vmem>> -> memref<32xi32, #tpu.memory_space<vmem>>
    %dma_start3A_25 = arith.constant 0 : i32
    %dma_start3A_26 = arith.constant 0 : i32
    %dma_start3A_27 = tpu.memref_slice %arg4[%dma_start3A_25, %dma_start3A_26] : memref<5184x1152xi32, #tpu.memory_space<hbm>> -> memref<5184x1152xi32, #tpu.memory_space<hbm>>
    tpu.enqueue_indirect_dma source(%arg6 : memref<32x1152xi32, #tpu.memory_space<vmem>>) target(%dma_start3A_27 : memref<5184x1152xi32, #tpu.memory_space<hbm>>) offsets(%dma_start3A_24 : memref<32xi32, #tpu.memory_space<vmem>>) semaphore(%arg7 : memref<!tpu.dma_semaphore, #tpu.memory_space<semaphore_mem>>)
    %dma_wait3A_28 = arith.constant 1 : i32
    %dma_wait3A_29 = arith.constant 0 : i32
    %dma_wait3A_30 = tpu.memref_slice %arg5[%dma_wait3A_28, %dma_wait3A_29] : memref<4x32xi32, #tpu.memory_space<vmem>> -> memref<1x32xi32, #tpu.memory_space<vmem>>
    %dma_wait3A_31 = tpu.memref_squeeze %dma_wait3A_30 : memref<1x32xi32, #tpu.memory_space<vmem>> -> memref<32xi32, #tpu.memory_space<vmem>>
    %dma_wait3A_32 = arith.constant 0 : i32
    %dma_wait3A_33 = arith.constant 0 : i32
    %dma_wait3A_34 = tpu.memref_slice %arg4[%dma_wait3A_32, %dma_wait3A_33] : memref<5184x1152xi32, #tpu.memory_space<hbm>> -> memref<5184x1152xi32, #tpu.memory_space<hbm>>
    tpu.wait_indirect_dma semaphore(%arg7 : memref<!tpu.dma_semaphore, #tpu.memory_space<semaphore_mem>>) src(%arg6 : memref<32x1152xi32, #tpu.memory_space<vmem>>) dst(%dma_wait3A_34 : memref<5184x1152xi32, #tpu.memory_space<hbm>>)
    %mul3A_35 = arith.constant 128 : i32
    %mul3A_36 = arith.muli %add3A, %mul3A_35 : i32
    %add3A_37 = arith.constant 64 : i32
    %add3A_38 = arith.addi %mul3A_36, %add3A_37 : i32
    "tpu.region"() ({
      %run_scoped3A = tpu.sem_alloc : memref<!tpu.dma_semaphore, #tpu.memory_space<semaphore_mem>>
      %dma_start3A_71 = arith.constant 0 : i32
      %dma_start3A_72 = tpu.memref_slice %arg2[%add3A_38, %dma_start3A_71] : memref<4096x1152xi32, #tpu.memory_space<hbm>> -> memref<32x1152xi32, #tpu.memory_space<hbm>>
      %dma_start3A_73 = arith.constant 0 : i32
      %dma_start3A_74 = tpu.memref_slice %arg2[%add3A_38, %dma_start3A_73] : memref<4096x1152xi32, #tpu.memory_space<hbm>> -> memref<32x1152xi32, #tpu.memory_space<hbm>>
      tpu.enqueue_dma source(%dma_start3A_74 : memref<32x1152xi32, #tpu.memory_space<hbm>>) target(%arg6 : memref<32x1152xi32, #tpu.memory_space<vmem>>) target_semaphore(%run_scoped3A : memref<!tpu.dma_semaphore, #tpu.memory_space<semaphore_mem>>)
      %dma_wait3A_75 = arith.constant 0 : i32
      %dma_wait3A_76 = tpu.memref_slice %arg2[%add3A_38, %dma_wait3A_75] : memref<4096x1152xi32, #tpu.memory_space<hbm>> -> memref<32x1152xi32, #tpu.memory_space<hbm>>
      %dma_wait3A_77 = arith.constant 0 : i32
      %dma_wait3A_78 = tpu.memref_slice %arg2[%add3A_38, %dma_wait3A_77] : memref<4096x1152xi32, #tpu.memory_space<hbm>> -> memref<32x1152xi32, #tpu.memory_space<hbm>>
      tpu.wait_dma2 semaphore(%run_scoped3A : memref<!tpu.dma_semaphore, #tpu.memory_space<semaphore_mem>>) src(%dma_wait3A_78 : memref<32x1152xi32, #tpu.memory_space<hbm>>) dst(%arg6 : memref<32x1152xi32, #tpu.memory_space<vmem>>)
      tpu.yield
    }) : () -> ()
    %dma_start3A_39 = arith.constant 2 : i32
    %dma_start3A_40 = arith.constant 0 : i32
    %dma_start3A_41 = tpu.memref_slice %arg5[%dma_start3A_39, %dma_start3A_40] : memref<4x32xi32, #tpu.memory_space<vmem>> -> memref<1x32xi32, #tpu.memory_space<vmem>>
    %dma_start3A_42 = tpu.memref_squeeze %dma_start3A_41 : memref<1x32xi32, #tpu.memory_space<vmem>> -> memref<32xi32, #tpu.memory_space<vmem>>
    %dma_start3A_43 = arith.constant 0 : i32
    %dma_start3A_44 = arith.constant 0 : i32
    %dma_start3A_45 = tpu.memref_slice %arg4[%dma_start3A_43, %dma_start3A_44] : memref<5184x1152xi32, #tpu.memory_space<hbm>> -> memref<5184x1152xi32, #tpu.memory_space<hbm>>
    tpu.enqueue_indirect_dma source(%arg6 : memref<32x1152xi32, #tpu.memory_space<vmem>>) target(%dma_start3A_45 : memref<5184x1152xi32, #tpu.memory_space<hbm>>) offsets(%dma_start3A_42 : memref<32xi32, #tpu.memory_space<vmem>>) semaphore(%arg7 : memref<!tpu.dma_semaphore, #tpu.memory_space<semaphore_mem>>)
    %dma_wait3A_46 = arith.constant 2 : i32
    %dma_wait3A_47 = arith.constant 0 : i32
    %dma_wait3A_48 = tpu.memref_slice %arg5[%dma_wait3A_46, %dma_wait3A_47] : memref<4x32xi32, #tpu.memory_space<vmem>> -> memref<1x32xi32, #tpu.memory_space<vmem>>
    %dma_wait3A_49 = tpu.memref_squeeze %dma_wait3A_48 : memref<1x32xi32, #tpu.memory_space<vmem>> -> memref<32xi32, #tpu.memory_space<vmem>>
    %dma_wait3A_50 = arith.constant 0 : i32
    %dma_wait3A_51 = arith.constant 0 : i32
    %dma_wait3A_52 = tpu.memref_slice %arg4[%dma_wait3A_50, %dma_wait3A_51] : memref<5184x1152xi32, #tpu.memory_space<hbm>> -> memref<5184x1152xi32, #tpu.memory_space<hbm>>
    tpu.wait_indirect_dma semaphore(%arg7 : memref<!tpu.dma_semaphore, #tpu.memory_space<semaphore_mem>>) src(%arg6 : memref<32x1152xi32, #tpu.memory_space<vmem>>) dst(%dma_wait3A_52 : memref<5184x1152xi32, #tpu.memory_space<hbm>>)
    %mul3A_53 = arith.constant 128 : i32
    %mul3A_54 = arith.muli %add3A, %mul3A_53 : i32
    %add3A_55 = arith.constant 96 : i32
    %add3A_56 = arith.addi %mul3A_54, %add3A_55 : i32
    "tpu.region"() ({
      %run_scoped3A = tpu.sem_alloc : memref<!tpu.dma_semaphore, #tpu.memory_space<semaphore_mem>>
      %dma_start3A_71 = arith.constant 0 : i32
      %dma_start3A_72 = tpu.memref_slice %arg2[%add3A_56, %dma_start3A_71] : memref<4096x1152xi32, #tpu.memory_space<hbm>> -> memref<32x1152xi32, #tpu.memory_space<hbm>>
      %dma_start3A_73 = arith.constant 0 : i32
      %dma_start3A_74 = tpu.memref_slice %arg2[%add3A_56, %dma_start3A_73] : memref<4096x1152xi32, #tpu.memory_space<hbm>> -> memref<32x1152xi32, #tpu.memory_space<hbm>>
      tpu.enqueue_dma source(%dma_start3A_74 : memref<32x1152xi32, #tpu.memory_space<hbm>>) target(%arg6 : memref<32x1152xi32, #tpu.memory_space<vmem>>) target_semaphore(%run_scoped3A : memref<!tpu.dma_semaphore, #tpu.memory_space<semaphore_mem>>)
      %dma_wait3A_75 = arith.constant 0 : i32
      %dma_wait3A_76 = tpu.memref_slice %arg2[%add3A_56, %dma_wait3A_75] : memref<4096x1152xi32, #tpu.memory_space<hbm>> -> memref<32x1152xi32, #tpu.memory_space<hbm>>
      %dma_wait3A_77 = arith.constant 0 : i32
      %dma_wait3A_78 = tpu.memref_slice %arg2[%add3A_56, %dma_wait3A_77] : memref<4096x1152xi32, #tpu.memory_space<hbm>> -> memref<32x1152xi32, #tpu.memory_space<hbm>>
      tpu.wait_dma2 semaphore(%run_scoped3A : memref<!tpu.dma_semaphore, #tpu.memory_space<semaphore_mem>>) src(%dma_wait3A_78 : memref<32x1152xi32, #tpu.memory_space<hbm>>) dst(%arg6 : memref<32x1152xi32, #tpu.memory_space<vmem>>)
      tpu.yield
    }) : () -> ()
    %dma_start3A_57 = arith.constant 3 : i32
    %dma_start3A_58 = arith.constant 0 : i32
    %dma_start3A_59 = tpu.memref_slice %arg5[%dma_start3A_57, %dma_start3A_58] : memref<4x32xi32, #tpu.memory_space<vmem>> -> memref<1x32xi32, #tpu.memory_space<vmem>>
    %dma_start3A_60 = tpu.memref_squeeze %dma_start3A_59 : memref<1x32xi32, #tpu.memory_space<vmem>> -> memref<32xi32, #tpu.memory_space<vmem>>
    %dma_start3A_61 = arith.constant 0 : i32
    %dma_start3A_62 = arith.constant 0 : i32
    %dma_start3A_63 = tpu.memref_slice %arg4[%dma_start3A_61, %dma_start3A_62] : memref<5184x1152xi32, #tpu.memory_space<hbm>> -> memref<5184x1152xi32, #tpu.memory_space<hbm>>
    tpu.enqueue_indirect_dma source(%arg6 : memref<32x1152xi32, #tpu.memory_space<vmem>>) target(%dma_start3A_63 : memref<5184x1152xi32, #tpu.memory_space<hbm>>) offsets(%dma_start3A_60 : memref<32xi32, #tpu.memory_space<vmem>>) semaphore(%arg7 : memref<!tpu.dma_semaphore, #tpu.memory_space<semaphore_mem>>)
    %dma_wait3A_64 = arith.constant 3 : i32
    %dma_wait3A_65 = arith.constant 0 : i32
    %dma_wait3A_66 = tpu.memref_slice %arg5[%dma_wait3A_64, %dma_wait3A_65] : memref<4x32xi32, #tpu.memory_space<vmem>> -> memref<1x32xi32, #tpu.memory_space<vmem>>
    %dma_wait3A_67 = tpu.memref_squeeze %dma_wait3A_66 : memref<1x32xi32, #tpu.memory_space<vmem>> -> memref<32xi32, #tpu.memory_space<vmem>>
    %dma_wait3A_68 = arith.constant 0 : i32
    %dma_wait3A_69 = arith.constant 0 : i32
    %dma_wait3A_70 = tpu.memref_slice %arg4[%dma_wait3A_68, %dma_wait3A_69] : memref<5184x1152xi32, #tpu.memory_space<hbm>> -> memref<5184x1152xi32, #tpu.memory_space<hbm>>
    tpu.wait_indirect_dma semaphore(%arg7 : memref<!tpu.dma_semaphore, #tpu.memory_space<semaphore_mem>>) src(%arg6 : memref<32x1152xi32, #tpu.memory_space<vmem>>) dst(%dma_wait3A_70 : memref<5184x1152xi32, #tpu.memory_space<hbm>>)
    return
  }
}

#map = affine_map<(d0, d1) -> (0, 0)>
#map1 = affine_map<(d0, d1) -> (0, 0, 0)>
module attributes {stable_mosaic.version = 14 : i64} {
  func.func @k(%arg0: i32, %arg1: i32, %arg2: memref<5184x2048xf32, #tpu.memory_space<hbm>>, %arg3: memref<32x4x32xi32, #tpu.memory_space<hbm>>, %arg4: memref<4096x2048xf32, #tpu.memory_space<hbm>>, %arg5: memref<4x32xi32, #tpu.memory_space<vmem>>, %arg6: memref<32x2048xf32, #tpu.memory_space<vmem>>, %arg7: memref<!tpu.dma_semaphore, #tpu.memory_space<semaphore_mem>>) attributes {dimension_semantics = [#tpu.dimension_semantics<core_parallel>, #tpu.dimension_semantics<subcore_parallel>], iteration_bounds = array<i64: 2, 16>, scalar_prefetch = 0 : i64, scratch_operands = 3 : i64, tpu.core_type = #tpu.core_type<sc_vector_subcore>, window_params = [{transform_indices = #map}, {transform_indices = #map1}, {transform_indices = #map}]} {
    %mul3A = arith.constant 2 : i32
    %mul3A_0 = arith.muli %arg1, %mul3A : i32
    %add3A = arith.addi %mul3A_0, %arg0 : i32
    "tpu.region"() ({
      %run_scoped3A = tpu.sem_alloc : memref<!tpu.dma_semaphore, #tpu.memory_space<semaphore_mem>>
      %dma_start3A_71 = arith.constant 0 : i32
      %dma_start3A_72 = arith.constant 0 : i32
      %dma_start3A_73 = tpu.memref_slice %arg3[%add3A, %dma_start3A_71, %dma_start3A_72] : memref<32x4x32xi32, #tpu.memory_space<hbm>> -> memref<1x4x32xi32, #tpu.memory_space<hbm>>
      %dma_start3A_74 = tpu.memref_squeeze %dma_start3A_73 : memref<1x4x32xi32, #tpu.memory_space<hbm>> -> memref<4x32xi32, #tpu.memory_space<hbm>>
      %dma_start3A_75 = arith.constant 0 : i32
      %dma_start3A_76 = arith.constant 0 : i32
      %dma_start3A_77 = tpu.memref_slice %arg3[%add3A, %dma_start3A_75, %dma_start3A_76] : memref<32x4x32xi32, #tpu.memory_space<hbm>> -> memref<1x4x32xi32, #tpu.memory_space<hbm>>
      %dma_start3A_78 = tpu.memref_squeeze %dma_start3A_77 : memref<1x4x32xi32, #tpu.memory_space<hbm>> -> memref<4x32xi32, #tpu.memory_space<hbm>>
      tpu.enqueue_dma source(%dma_start3A_78 : memref<4x32xi32, #tpu.memory_space<hbm>>) target(%arg5 : memref<4x32xi32, #tpu.memory_space<vmem>>) target_semaphore(%run_scoped3A : memref<!tpu.dma_semaphore, #tpu.memory_space<semaphore_mem>>)
      %dma_wait3A_79 = arith.constant 0 : i32
      %dma_wait3A_80 = arith.constant 0 : i32
      %dma_wait3A_81 = tpu.memref_slice %arg3[%add3A, %dma_wait3A_79, %dma_wait3A_80] : memref<32x4x32xi32, #tpu.memory_space<hbm>> -> memref<1x4x32xi32, #tpu.memory_space<hbm>>
      %dma_wait3A_82 = tpu.memref_squeeze %dma_wait3A_81 : memref<1x4x32xi32, #tpu.memory_space<hbm>> -> memref<4x32xi32, #tpu.memory_space<hbm>>
      %dma_wait3A_83 = arith.constant 0 : i32
      %dma_wait3A_84 = arith.constant 0 : i32
      %dma_wait3A_85 = tpu.memref_slice %arg3[%add3A, %dma_wait3A_83, %dma_wait3A_84] : memref<32x4x32xi32, #tpu.memory_space<hbm>> -> memref<1x4x32xi32, #tpu.memory_space<hbm>>
      %dma_wait3A_86 = tpu.memref_squeeze %dma_wait3A_85 : memref<1x4x32xi32, #tpu.memory_space<hbm>> -> memref<4x32xi32, #tpu.memory_space<hbm>>
      tpu.wait_dma2 semaphore(%run_scoped3A : memref<!tpu.dma_semaphore, #tpu.memory_space<semaphore_mem>>) src(%dma_wait3A_86 : memref<4x32xi32, #tpu.memory_space<hbm>>) dst(%arg5 : memref<4x32xi32, #tpu.memory_space<vmem>>)
      tpu.yield
    }) : () -> ()
    %mul3A_1 = arith.constant 128 : i32
    %mul3A_2 = arith.muli %add3A, %mul3A_1 : i32
    %add3A_3 = arith.constant 0 : i32
    %add3A_4 = arith.addi %mul3A_2, %add3A_3 : i32
    %dma_start3A = arith.constant 0 : i32
    %dma_start3A_5 = arith.constant 0 : i32
    %dma_start3A_6 = tpu.memref_slice %arg5[%dma_start3A, %dma_start3A_5] : memref<4x32xi32, #tpu.memory_space<vmem>> -> memref<1x32xi32, #tpu.memory_space<vmem>>
    %dma_start3A_7 = tpu.memref_squeeze %dma_start3A_6 : memref<1x32xi32, #tpu.memory_space<vmem>> -> memref<32xi32, #tpu.memory_space<vmem>>
    %dma_start3A_8 = arith.constant 0 : i32
    %dma_start3A_9 = arith.constant 0 : i32
    %dma_start3A_10 = tpu.memref_slice %arg2[%dma_start3A_8, %dma_start3A_9] : memref<5184x2048xf32, #tpu.memory_space<hbm>> -> memref<5184x2048xf32, #tpu.memory_space<hbm>>
    tpu.enqueue_indirect_dma source(%dma_start3A_10 : memref<5184x2048xf32, #tpu.memory_space<hbm>>) target(%arg6 : memref<32x2048xf32, #tpu.memory_space<vmem>>) offsets(%dma_start3A_7 : memref<32xi32, #tpu.memory_space<vmem>>) semaphore(%arg7 : memref<!tpu.dma_semaphore, #tpu.memory_space<semaphore_mem>>)
    %dma_wait3A = arith.constant 0 : i32
    %dma_wait3A_11 = arith.constant 0 : i32
    %dma_wait3A_12 = tpu.memref_slice %arg5[%dma_wait3A, %dma_wait3A_11] : memref<4x32xi32, #tpu.memory_space<vmem>> -> memref<1x32xi32, #tpu.memory_space<vmem>>
    %dma_wait3A_13 = tpu.memref_squeeze %dma_wait3A_12 : memref<1x32xi32, #tpu.memory_space<vmem>> -> memref<32xi32, #tpu.memory_space<vmem>>
    %dma_wait3A_14 = arith.constant 0 : i32
    %dma_wait3A_15 = arith.constant 0 : i32
    %dma_wait3A_16 = tpu.memref_slice %arg2[%dma_wait3A_14, %dma_wait3A_15] : memref<5184x2048xf32, #tpu.memory_space<hbm>> -> memref<5184x2048xf32, #tpu.memory_space<hbm>>
    tpu.wait_indirect_dma semaphore(%arg7 : memref<!tpu.dma_semaphore, #tpu.memory_space<semaphore_mem>>) src(%dma_wait3A_16 : memref<5184x2048xf32, #tpu.memory_space<hbm>>) dst(%arg6 : memref<32x2048xf32, #tpu.memory_space<vmem>>)
    "tpu.region"() ({
      %run_scoped3A = tpu.sem_alloc : memref<!tpu.dma_semaphore, #tpu.memory_space<semaphore_mem>>
      %dma_start3A_71 = arith.constant 0 : i32
      %dma_start3A_72 = tpu.memref_slice %arg4[%add3A_4, %dma_start3A_71] : memref<4096x2048xf32, #tpu.memory_space<hbm>> -> memref<32x2048xf32, #tpu.memory_space<hbm>>
      %dma_start3A_73 = arith.constant 0 : i32
      %dma_start3A_74 = tpu.memref_slice %arg4[%add3A_4, %dma_start3A_73] : memref<4096x2048xf32, #tpu.memory_space<hbm>> -> memref<32x2048xf32, #tpu.memory_space<hbm>>
      tpu.enqueue_dma source(%arg6 : memref<32x2048xf32, #tpu.memory_space<vmem>>) target(%dma_start3A_74 : memref<32x2048xf32, #tpu.memory_space<hbm>>) target_semaphore(%run_scoped3A : memref<!tpu.dma_semaphore, #tpu.memory_space<semaphore_mem>>)
      %dma_wait3A_75 = arith.constant 0 : i32
      %dma_wait3A_76 = tpu.memref_slice %arg4[%add3A_4, %dma_wait3A_75] : memref<4096x2048xf32, #tpu.memory_space<hbm>> -> memref<32x2048xf32, #tpu.memory_space<hbm>>
      %dma_wait3A_77 = arith.constant 0 : i32
      %dma_wait3A_78 = tpu.memref_slice %arg4[%add3A_4, %dma_wait3A_77] : memref<4096x2048xf32, #tpu.memory_space<hbm>> -> memref<32x2048xf32, #tpu.memory_space<hbm>>
      tpu.wait_dma2 semaphore(%run_scoped3A : memref<!tpu.dma_semaphore, #tpu.memory_space<semaphore_mem>>) src(%arg6 : memref<32x2048xf32, #tpu.memory_space<vmem>>) dst(%dma_wait3A_78 : memref<32x2048xf32, #tpu.memory_space<hbm>>)
      tpu.yield
    }) : () -> ()
    %mul3A_17 = arith.constant 128 : i32
    %mul3A_18 = arith.muli %add3A, %mul3A_17 : i32
    %add3A_19 = arith.constant 32 : i32
    %add3A_20 = arith.addi %mul3A_18, %add3A_19 : i32
    %dma_start3A_21 = arith.constant 1 : i32
    %dma_start3A_22 = arith.constant 0 : i32
    %dma_start3A_23 = tpu.memref_slice %arg5[%dma_start3A_21, %dma_start3A_22] : memref<4x32xi32, #tpu.memory_space<vmem>> -> memref<1x32xi32, #tpu.memory_space<vmem>>
    %dma_start3A_24 = tpu.memref_squeeze %dma_start3A_23 : memref<1x32xi32, #tpu.memory_space<vmem>> -> memref<32xi32, #tpu.memory_space<vmem>>
    %dma_start3A_25 = arith.constant 0 : i32
    %dma_start3A_26 = arith.constant 0 : i32
    %dma_start3A_27 = tpu.memref_slice %arg2[%dma_start3A_25, %dma_start3A_26] : memref<5184x2048xf32, #tpu.memory_space<hbm>> -> memref<5184x2048xf32, #tpu.memory_space<hbm>>
    tpu.enqueue_indirect_dma source(%dma_start3A_27 : memref<5184x2048xf32, #tpu.memory_space<hbm>>) target(%arg6 : memref<32x2048xf32, #tpu.memory_space<vmem>>) offsets(%dma_start3A_24 : memref<32xi32, #tpu.memory_space<vmem>>) semaphore(%arg7 : memref<!tpu.dma_semaphore, #tpu.memory_space<semaphore_mem>>)
    %dma_wait3A_28 = arith.constant 1 : i32
    %dma_wait3A_29 = arith.constant 0 : i32
    %dma_wait3A_30 = tpu.memref_slice %arg5[%dma_wait3A_28, %dma_wait3A_29] : memref<4x32xi32, #tpu.memory_space<vmem>> -> memref<1x32xi32, #tpu.memory_space<vmem>>
    %dma_wait3A_31 = tpu.memref_squeeze %dma_wait3A_30 : memref<1x32xi32, #tpu.memory_space<vmem>> -> memref<32xi32, #tpu.memory_space<vmem>>
    %dma_wait3A_32 = arith.constant 0 : i32
    %dma_wait3A_33 = arith.constant 0 : i32
    %dma_wait3A_34 = tpu.memref_slice %arg2[%dma_wait3A_32, %dma_wait3A_33] : memref<5184x2048xf32, #tpu.memory_space<hbm>> -> memref<5184x2048xf32, #tpu.memory_space<hbm>>
    tpu.wait_indirect_dma semaphore(%arg7 : memref<!tpu.dma_semaphore, #tpu.memory_space<semaphore_mem>>) src(%dma_wait3A_34 : memref<5184x2048xf32, #tpu.memory_space<hbm>>) dst(%arg6 : memref<32x2048xf32, #tpu.memory_space<vmem>>)
    "tpu.region"() ({
      %run_scoped3A = tpu.sem_alloc : memref<!tpu.dma_semaphore, #tpu.memory_space<semaphore_mem>>
      %dma_start3A_71 = arith.constant 0 : i32
      %dma_start3A_72 = tpu.memref_slice %arg4[%add3A_20, %dma_start3A_71] : memref<4096x2048xf32, #tpu.memory_space<hbm>> -> memref<32x2048xf32, #tpu.memory_space<hbm>>
      %dma_start3A_73 = arith.constant 0 : i32
      %dma_start3A_74 = tpu.memref_slice %arg4[%add3A_20, %dma_start3A_73] : memref<4096x2048xf32, #tpu.memory_space<hbm>> -> memref<32x2048xf32, #tpu.memory_space<hbm>>
      tpu.enqueue_dma source(%arg6 : memref<32x2048xf32, #tpu.memory_space<vmem>>) target(%dma_start3A_74 : memref<32x2048xf32, #tpu.memory_space<hbm>>) target_semaphore(%run_scoped3A : memref<!tpu.dma_semaphore, #tpu.memory_space<semaphore_mem>>)
      %dma_wait3A_75 = arith.constant 0 : i32
      %dma_wait3A_76 = tpu.memref_slice %arg4[%add3A_20, %dma_wait3A_75] : memref<4096x2048xf32, #tpu.memory_space<hbm>> -> memref<32x2048xf32, #tpu.memory_space<hbm>>
      %dma_wait3A_77 = arith.constant 0 : i32
      %dma_wait3A_78 = tpu.memref_slice %arg4[%add3A_20, %dma_wait3A_77] : memref<4096x2048xf32, #tpu.memory_space<hbm>> -> memref<32x2048xf32, #tpu.memory_space<hbm>>
      tpu.wait_dma2 semaphore(%run_scoped3A : memref<!tpu.dma_semaphore, #tpu.memory_space<semaphore_mem>>) src(%arg6 : memref<32x2048xf32, #tpu.memory_space<vmem>>) dst(%dma_wait3A_78 : memref<32x2048xf32, #tpu.memory_space<hbm>>)
      tpu.yield
    }) : () -> ()
    %mul3A_35 = arith.constant 128 : i32
    %mul3A_36 = arith.muli %add3A, %mul3A_35 : i32
    %add3A_37 = arith.constant 64 : i32
    %add3A_38 = arith.addi %mul3A_36, %add3A_37 : i32
    %dma_start3A_39 = arith.constant 2 : i32
    %dma_start3A_40 = arith.constant 0 : i32
    %dma_start3A_41 = tpu.memref_slice %arg5[%dma_start3A_39, %dma_start3A_40] : memref<4x32xi32, #tpu.memory_space<vmem>> -> memref<1x32xi32, #tpu.memory_space<vmem>>
    %dma_start3A_42 = tpu.memref_squeeze %dma_start3A_41 : memref<1x32xi32, #tpu.memory_space<vmem>> -> memref<32xi32, #tpu.memory_space<vmem>>
    %dma_start3A_43 = arith.constant 0 : i32
    %dma_start3A_44 = arith.constant 0 : i32
    %dma_start3A_45 = tpu.memref_slice %arg2[%dma_start3A_43, %dma_start3A_44] : memref<5184x2048xf32, #tpu.memory_space<hbm>> -> memref<5184x2048xf32, #tpu.memory_space<hbm>>
    tpu.enqueue_indirect_dma source(%dma_start3A_45 : memref<5184x2048xf32, #tpu.memory_space<hbm>>) target(%arg6 : memref<32x2048xf32, #tpu.memory_space<vmem>>) offsets(%dma_start3A_42 : memref<32xi32, #tpu.memory_space<vmem>>) semaphore(%arg7 : memref<!tpu.dma_semaphore, #tpu.memory_space<semaphore_mem>>)
    %dma_wait3A_46 = arith.constant 2 : i32
    %dma_wait3A_47 = arith.constant 0 : i32
    %dma_wait3A_48 = tpu.memref_slice %arg5[%dma_wait3A_46, %dma_wait3A_47] : memref<4x32xi32, #tpu.memory_space<vmem>> -> memref<1x32xi32, #tpu.memory_space<vmem>>
    %dma_wait3A_49 = tpu.memref_squeeze %dma_wait3A_48 : memref<1x32xi32, #tpu.memory_space<vmem>> -> memref<32xi32, #tpu.memory_space<vmem>>
    %dma_wait3A_50 = arith.constant 0 : i32
    %dma_wait3A_51 = arith.constant 0 : i32
    %dma_wait3A_52 = tpu.memref_slice %arg2[%dma_wait3A_50, %dma_wait3A_51] : memref<5184x2048xf32, #tpu.memory_space<hbm>> -> memref<5184x2048xf32, #tpu.memory_space<hbm>>
    tpu.wait_indirect_dma semaphore(%arg7 : memref<!tpu.dma_semaphore, #tpu.memory_space<semaphore_mem>>) src(%dma_wait3A_52 : memref<5184x2048xf32, #tpu.memory_space<hbm>>) dst(%arg6 : memref<32x2048xf32, #tpu.memory_space<vmem>>)
    "tpu.region"() ({
      %run_scoped3A = tpu.sem_alloc : memref<!tpu.dma_semaphore, #tpu.memory_space<semaphore_mem>>
      %dma_start3A_71 = arith.constant 0 : i32
      %dma_start3A_72 = tpu.memref_slice %arg4[%add3A_38, %dma_start3A_71] : memref<4096x2048xf32, #tpu.memory_space<hbm>> -> memref<32x2048xf32, #tpu.memory_space<hbm>>
      %dma_start3A_73 = arith.constant 0 : i32
      %dma_start3A_74 = tpu.memref_slice %arg4[%add3A_38, %dma_start3A_73] : memref<4096x2048xf32, #tpu.memory_space<hbm>> -> memref<32x2048xf32, #tpu.memory_space<hbm>>
      tpu.enqueue_dma source(%arg6 : memref<32x2048xf32, #tpu.memory_space<vmem>>) target(%dma_start3A_74 : memref<32x2048xf32, #tpu.memory_space<hbm>>) target_semaphore(%run_scoped3A : memref<!tpu.dma_semaphore, #tpu.memory_space<semaphore_mem>>)
      %dma_wait3A_75 = arith.constant 0 : i32
      %dma_wait3A_76 = tpu.memref_slice %arg4[%add3A_38, %dma_wait3A_75] : memref<4096x2048xf32, #tpu.memory_space<hbm>> -> memref<32x2048xf32, #tpu.memory_space<hbm>>
      %dma_wait3A_77 = arith.constant 0 : i32
      %dma_wait3A_78 = tpu.memref_slice %arg4[%add3A_38, %dma_wait3A_77] : memref<4096x2048xf32, #tpu.memory_space<hbm>> -> memref<32x2048xf32, #tpu.memory_space<hbm>>
      tpu.wait_dma2 semaphore(%run_scoped3A : memref<!tpu.dma_semaphore, #tpu.memory_space<semaphore_mem>>) src(%arg6 : memref<32x2048xf32, #tpu.memory_space<vmem>>) dst(%dma_wait3A_78 : memref<32x2048xf32, #tpu.memory_space<hbm>>)
      tpu.yield
    }) : () -> ()
    %mul3A_53 = arith.constant 128 : i32
    %mul3A_54 = arith.muli %add3A, %mul3A_53 : i32
    %add3A_55 = arith.constant 96 : i32
    %add3A_56 = arith.addi %mul3A_54, %add3A_55 : i32
    %dma_start3A_57 = arith.constant 3 : i32
    %dma_start3A_58 = arith.constant 0 : i32
    %dma_start3A_59 = tpu.memref_slice %arg5[%dma_start3A_57, %dma_start3A_58] : memref<4x32xi32, #tpu.memory_space<vmem>> -> memref<1x32xi32, #tpu.memory_space<vmem>>
    %dma_start3A_60 = tpu.memref_squeeze %dma_start3A_59 : memref<1x32xi32, #tpu.memory_space<vmem>> -> memref<32xi32, #tpu.memory_space<vmem>>
    %dma_start3A_61 = arith.constant 0 : i32
    %dma_start3A_62 = arith.constant 0 : i32
    %dma_start3A_63 = tpu.memref_slice %arg2[%dma_start3A_61, %dma_start3A_62] : memref<5184x2048xf32, #tpu.memory_space<hbm>> -> memref<5184x2048xf32, #tpu.memory_space<hbm>>
    tpu.enqueue_indirect_dma source(%dma_start3A_63 : memref<5184x2048xf32, #tpu.memory_space<hbm>>) target(%arg6 : memref<32x2048xf32, #tpu.memory_space<vmem>>) offsets(%dma_start3A_60 : memref<32xi32, #tpu.memory_space<vmem>>) semaphore(%arg7 : memref<!tpu.dma_semaphore, #tpu.memory_space<semaphore_mem>>)
    %dma_wait3A_64 = arith.constant 3 : i32
    %dma_wait3A_65 = arith.constant 0 : i32
    %dma_wait3A_66 = tpu.memref_slice %arg5[%dma_wait3A_64, %dma_wait3A_65] : memref<4x32xi32, #tpu.memory_space<vmem>> -> memref<1x32xi32, #tpu.memory_space<vmem>>
    %dma_wait3A_67 = tpu.memref_squeeze %dma_wait3A_66 : memref<1x32xi32, #tpu.memory_space<vmem>> -> memref<32xi32, #tpu.memory_space<vmem>>
    %dma_wait3A_68 = arith.constant 0 : i32
    %dma_wait3A_69 = arith.constant 0 : i32
    %dma_wait3A_70 = tpu.memref_slice %arg2[%dma_wait3A_68, %dma_wait3A_69] : memref<5184x2048xf32, #tpu.memory_space<hbm>> -> memref<5184x2048xf32, #tpu.memory_space<hbm>>
    tpu.wait_indirect_dma semaphore(%arg7 : memref<!tpu.dma_semaphore, #tpu.memory_space<semaphore_mem>>) src(%dma_wait3A_70 : memref<5184x2048xf32, #tpu.memory_space<hbm>>) dst(%arg6 : memref<32x2048xf32, #tpu.memory_space<vmem>>)
    "tpu.region"() ({
      %run_scoped3A = tpu.sem_alloc : memref<!tpu.dma_semaphore, #tpu.memory_space<semaphore_mem>>
      %dma_start3A_71 = arith.constant 0 : i32
      %dma_start3A_72 = tpu.memref_slice %arg4[%add3A_56, %dma_start3A_71] : memref<4096x2048xf32, #tpu.memory_space<hbm>> -> memref<32x2048xf32, #tpu.memory_space<hbm>>
      %dma_start3A_73 = arith.constant 0 : i32
      %dma_start3A_74 = tpu.memref_slice %arg4[%add3A_56, %dma_start3A_73] : memref<4096x2048xf32, #tpu.memory_space<hbm>> -> memref<32x2048xf32, #tpu.memory_space<hbm>>
      tpu.enqueue_dma source(%arg6 : memref<32x2048xf32, #tpu.memory_space<vmem>>) target(%dma_start3A_74 : memref<32x2048xf32, #tpu.memory_space<hbm>>) target_semaphore(%run_scoped3A : memref<!tpu.dma_semaphore, #tpu.memory_space<semaphore_mem>>)
      %dma_wait3A_75 = arith.constant 0 : i32
      %dma_wait3A_76 = tpu.memref_slice %arg4[%add3A_56, %dma_wait3A_75] : memref<4096x2048xf32, #tpu.memory_space<hbm>> -> memref<32x2048xf32, #tpu.memory_space<hbm>>
      %dma_wait3A_77 = arith.constant 0 : i32
      %dma_wait3A_78 = tpu.memref_slice %arg4[%add3A_56, %dma_wait3A_77] : memref<4096x2048xf32, #tpu.memory_space<hbm>> -> memref<32x2048xf32, #tpu.memory_space<hbm>>
      tpu.wait_dma2 semaphore(%run_scoped3A : memref<!tpu.dma_semaphore, #tpu.memory_space<semaphore_mem>>) src(%arg6 : memref<32x2048xf32, #tpu.memory_space<vmem>>) dst(%dma_wait3A_78 : memref<32x2048xf32, #tpu.memory_space<hbm>>)
      tpu.yield
    }) : () -> ()
    return
  }
}

module attributes {stable_mosaic.version = 14 : i64} {
  func.func @_router_kernel(%arg0: i32, %arg1: memref<256x2048xf32, #tpu.memory_space<vmem>>, %arg2: memref<8x2048xf32, #tpu.memory_space<vmem>>, %arg3: memref<1x8xf32, #tpu.memory_space<vmem>>, %arg4: memref<256x2304xbf16, #tpu.memory_space<vmem>>, %arg5: memref<256x1xi32, #tpu.memory_space<vmem>>, %arg6: memref<1x1xf32, #tpu.memory_space<vmem>>, %arg7: memref<1x8xf32, #tpu.memory_space<vmem>>, %arg8: memref<1x8xf32, #tpu.memory_space<vmem>>, %arg9: memref<1x8xf32, #tpu.memory_space<vmem>>) attributes {dimension_semantics = [#tpu.dimension_semantics<arbitrary>], iteration_bounds = array<i64: 16>, scalar_prefetch = 0 : i64, scratch_operands = 3 : i64, tpu.core_type = #tpu.core_type<tc>, window_params = [{transform_indices = @transform_0, window_bounds = array<i64: 256, 2048>}, {pipeline_mode = #tpu.pipeline_mode<synchronous>, transform_indices = @transform_1, window_bounds = array<i64: 8, 2048>}, {pipeline_mode = #tpu.pipeline_mode<synchronous>, transform_indices = @transform_2, window_bounds = array<i64: 1, 8>}, {transform_indices = @transform_3, window_bounds = array<i64: 256, 2304>}, {transform_indices = @transform_4, window_bounds = array<i64: 256, 1>}, {pipeline_mode = #tpu.pipeline_mode<synchronous>, transform_indices = @transform_5, window_bounds = array<i64: 1, 1>}]} {
    %eq3A = arith.constant 0 : i32
    %eq3A_0 = arith.cmpi eq, %arg0, %eq3A : i32
    %convert_element_type3A = arith.extui %eq3A_0 : i1 to i32
    %cond3A = arith.constant 0 : i32
    %cond3A_1 = arith.cmpi ne, %convert_element_type3A, %cond3A : i32
    scf.if %cond3A_1 {
      %broadcast_in_dim3A_117 = arith.constant 0.000000e+00 : f32
      %broadcast_in_dim3A_118 = vector.broadcast %broadcast_in_dim3A_117 : f32 to vector<1x8xf32>
      %swap3A_119 = arith.constant 0 : index
      %swap3A_120 = arith.constant 0 : index
      %swap3A_121 = vector.load %arg7[%swap3A_119, %swap3A_120] : memref<1x8xf32, #tpu.memory_space<vmem>>, vector<1x8xf32>
      tpu.vector_store %arg7[%swap3A_119, %swap3A_120], %broadcast_in_dim3A_118 {strides = array<i32>} : memref<1x8xf32, #tpu.memory_space<vmem>>, vector<1x8xf32>,
      %broadcast_in_dim3A_122 = arith.constant 0.000000e+00 : f32
      %broadcast_in_dim3A_123 = vector.broadcast %broadcast_in_dim3A_122 : f32 to vector<1x8xf32>
      %swap3A_124 = arith.constant 0 : index
      %swap3A_125 = arith.constant 0 : index
      %swap3A_126 = vector.load %arg8[%swap3A_124, %swap3A_125] : memref<1x8xf32, #tpu.memory_space<vmem>>, vector<1x8xf32>
      tpu.vector_store %arg8[%swap3A_124, %swap3A_125], %broadcast_in_dim3A_123 {strides = array<i32>} : memref<1x8xf32, #tpu.memory_space<vmem>>, vector<1x8xf32>,
      %broadcast_in_dim3A_127 = arith.constant 0.000000e+00 : f32
      %broadcast_in_dim3A_128 = vector.broadcast %broadcast_in_dim3A_127 : f32 to vector<1x8xf32>
      %swap3A_129 = arith.constant 0 : index
      %swap3A_130 = arith.constant 0 : index
      %swap3A_131 = vector.load %arg9[%swap3A_129, %swap3A_130] : memref<1x8xf32, #tpu.memory_space<vmem>>, vector<1x8xf32>
      tpu.vector_store %arg9[%swap3A_129, %swap3A_130], %broadcast_in_dim3A_128 {strides = array<i32>} : memref<1x8xf32, #tpu.memory_space<vmem>>, vector<1x8xf32>,
    } else {
    }
    %get3A = arith.constant 0 : index
    %get3A_2 = arith.constant 0 : index
    %get3A_3 = vector.load %arg1[%get3A, %get3A_2] : memref<256x2048xf32, #tpu.memory_space<vmem>>, vector<256x2048xf32>
    %get3A_4 = arith.constant 0 : index
    %get3A_5 = arith.constant 0 : index
    %get3A_6 = vector.load %arg2[%get3A_4, %get3A_5] : memref<8x2048xf32, #tpu.memory_space<vmem>>, vector<8x2048xf32>
    %dot_general3A = arith.constant dense<0.000000e+00> : vector<256x8xf32>
    %dot_general3A_7 = tpu.matmul %get3A_3, %get3A_6, %dot_general3A {dimension_numbers = #tpu.dot_dimension_numbers<[1], [1], [0], [0], [0, 0, 1, 0], [], []>, transpose_lhs_hint = false} : vector<256x2048xf32>, vector<8x2048xf32>, vector<256x8xf32> -> vector<256x8xf32>
    %get3A_8 = arith.constant 0 : index
    %get3A_9 = arith.constant 0 : index
    %get3A_10 = vector.load %arg3[%get3A_8, %get3A_9] : memref<1x8xf32, #tpu.memory_space<vmem>>, vector<1x8xf32>
    %add3A = vector.broadcast %get3A_10 : vector<1x8xf32> to vector<256x8xf32>
    %add3A_11 = arith.addf %dot_general3A_7, %add3A : vector<256x8xf32>
    %reduce_max3A = arith.constant dense<0xFF800000> : vector<256xf32>
    %reduce_max3A_12 = vector.multi_reduction <maximumf>, %add3A_11, %reduce_max3A [1] : vector<256x8xf32> to vector<256xf32>
    %broadcast_in_dim3A = vector.shape_cast %reduce_max3A_12 : vector<256xf32> to vector<256x1xf32>
    %sub3A = vector.broadcast %broadcast_in_dim3A : vector<256x1xf32> to vector<256x8xf32>
    %sub3A_13 = arith.subf %add3A_11, %sub3A : vector<256x8xf32>
    %exp3A = math.exp %sub3A_13 : vector<256x8xf32>
    %reduce_sum3A = arith.constant dense<0.000000e+00> : vector<256xf32>
    %reduce_sum3A_14 = vector.multi_reduction <add>, %exp3A, %reduce_sum3A [1] : vector<256x8xf32> to vector<256xf32>
    %broadcast_in_dim3A_15 = vector.shape_cast %reduce_sum3A_14 : vector<256xf32> to vector<256x1xf32>
    %div3A = vector.broadcast %broadcast_in_dim3A_15 : vector<256x1xf32> to vector<256x8xf32>
    %div3A_16 = arith.divf %exp3A, %div3A : vector<256x8xf32>
    %iota3A = tpu.iota {dimensions = array<i32: 1>} : vector<256x8xi32>
    %eq3A_17 = vector.broadcast %broadcast_in_dim3A : vector<256x1xf32> to vector<256x8xf32>
    %eq3A_18 = arith.cmpf oeq, %add3A_11, %eq3A_17 : vector<256x8xf32>
    %jit3A = arith.constant 8 : i32
    %broadcast_in_dim3A_19 = vector.broadcast %jit3A : i32 to vector<256x8xi32>
    %select_n3A = arith.select %eq3A_18, %iota3A, %broadcast_in_dim3A_19 : vector<256x8xi1>, vector<256x8xi32>
    %reduce_min3A = arith.constant dense<2147483647> : vector<256xi32>
    %reduce_min3A_20 = vector.multi_reduction <minsi>, %select_n3A, %reduce_min3A [1] : vector<256x8xi32> to vector<256xi32>
    %broadcast_in_dim3A_21 = vector.shape_cast %reduce_min3A_20 : vector<256xi32> to vector<256x1xi32>
    %eq3A_22 = vector.broadcast %broadcast_in_dim3A_21 : vector<256x1xi32> to vector<256x8xi32>
    %eq3A_23 = arith.cmpi eq, %iota3A, %eq3A_22 : vector<256x8xi32>
    %convert_element_type3A_24 = arith.extui %eq3A_23 : vector<256x8xi1> to vector<256x8xi32>
    %convert_element_type3A_25 = arith.sitofp %convert_element_type3A_24 : vector<256x8xi32> to vector<256x8xf32>
    %iota3A_26 = tpu.iota {dimensions = array<i32: 0>} : vector<256x256xi32>
    %iota3A_27 = tpu.iota {dimensions = array<i32: 1>} : vector<256x256xi32>
    %ge3A = arith.cmpi sge, %iota3A_26, %iota3A_27 : vector<256x256xi32>
    %convert_element_type3A_28 = arith.extui %ge3A : vector<256x256xi1> to vector<256x256xi32>
    %convert_element_type3A_29 = arith.sitofp %convert_element_type3A_28 : vector<256x256xi32> to vector<256x256xf32>
    %convert_element_type3A_30 = arith.truncf %convert_element_type3A_29 : vector<256x256xf32> to vector<256x256xbf16>
    %convert_element_type3A_31 = arith.truncf %convert_element_type3A_25 : vector<256x8xf32> to vector<256x8xbf16>
    %dot_general3A_32 = arith.constant dense<0.000000e+00> : vector<256x8xf32>
    %dot_general3A_33 = tpu.matmul %convert_element_type3A_30, %convert_element_type3A_31, %dot_general3A_32 {dimension_numbers = #tpu.dot_dimension_numbers<[1], [0], [0], [1], [0, 0, 1, 1], [], []>, transpose_lhs_hint = false} : vector<256x256xbf16>, vector<256x8xbf16>, vector<256x8xf32> -> vector<256x8xf32>
    %get3A_34 = arith.constant 0 : index
    %get3A_35 = arith.constant 0 : index
    %get3A_36 = vector.load %arg7[%get3A_34, %get3A_35] : memref<1x8xf32, #tpu.memory_space<vmem>>, vector<1x8xf32>
    %add3A_37 = vector.broadcast %get3A_36 : vector<1x8xf32> to vector<256x8xf32>
    %add3A_38 = arith.addf %dot_general3A_33, %add3A_37 : vector<256x8xf32>
    %mul3A = arith.mulf %convert_element_type3A_25, %add3A_38 : vector<256x8xf32>
    %reduce_sum3A_39 = arith.constant dense<0.000000e+00> : vector<256xf32>
    %reduce_sum3A_40 = vector.multi_reduction <add>, %mul3A, %reduce_sum3A_39 [1] : vector<256x8xf32> to vector<256xf32>
    %broadcast_in_dim3A_41 = vector.shape_cast %reduce_sum3A_40 : vector<256xf32> to vector<256x1xf32>
    %sub3A_42 = arith.constant 1.000000e+00 : f32
    %sub3A_43 = vector.broadcast %sub3A_42 : f32 to vector<256x1xf32>
    %sub3A_44 = arith.subf %broadcast_in_dim3A_41, %sub3A_43 : vector<256x1xf32>
    %lt3A = arith.constant 6.410000e+02 : f32
    %lt3A_45 = vector.broadcast %lt3A : f32 to vector<256x1xf32>
    %lt3A_46 = arith.cmpf olt, %sub3A_44, %lt3A_45 : vector<256x1xf32>
    %mul3A_47 = arith.mulf %div3A_16, %convert_element_type3A_25 : vector<256x8xf32>
    %reduce_sum3A_48 = arith.constant dense<0.000000e+00> : vector<256xf32>
    %reduce_sum3A_49 = vector.multi_reduction <add>, %mul3A_47, %reduce_sum3A_48 [1] : vector<256x8xf32> to vector<256xf32>
    %broadcast_in_dim3A_50 = vector.shape_cast %reduce_sum3A_49 : vector<256xf32> to vector<256x1xf32>
    %jit3A_51 = arith.constant 0.000000e+00 : f32
    %broadcast_in_dim3A_52 = vector.broadcast %jit3A_51 : f32 to vector<256x1xf32>
    %select_n3A_53 = arith.select %lt3A_46, %broadcast_in_dim3A_50, %broadcast_in_dim3A_52 : vector<256x1xi1>, vector<256x1xf32>
    %convert_element_type3A_54 = arith.truncf %select_n3A_53 : vector<256x1xf32> to vector<256x1xbf16>
    %convert_element_type3A_55 = arith.extf %convert_element_type3A_54 : vector<256x1xbf16> to vector<256x1xf32>
    %sub3A_56 = arith.subf %select_n3A_53, %convert_element_type3A_55 : vector<256x1xf32>
    %convert_element_type3A_57 = arith.truncf %sub3A_56 : vector<256x1xf32> to vector<256x1xbf16>
    %mul3A_58 = arith.constant 648 : i32
    %mul3A_59 = vector.broadcast %mul3A_58 : i32 to vector<256x1xi32>
    %mul3A_60 = arith.muli %broadcast_in_dim3A_21, %mul3A_59 : vector<256x1xi32>
    %convert_element_type3A_61 = arith.fptosi %sub3A_44 : vector<256x1xf32> to vector<256x1xi32>
    %add3A_62 = arith.addi %mul3A_60, %convert_element_type3A_61 : vector<256x1xi32>
    %jit3A_63 = arith.constant 641 : i32
    %broadcast_in_dim3A_64 = vector.broadcast %jit3A_63 : i32 to vector<256x1xi32>
    %select_n3A_65 = arith.select %lt3A_46, %add3A_62, %broadcast_in_dim3A_64 : vector<256x1xi1>, vector<256x1xi32>
    %convert_element_type3A_66 = arith.truncf %get3A_3 : vector<256x2048xf32> to vector<256x2048xbf16>
    %swap3A = arith.constant 0 : index
    %swap3A_67 = arith.constant 0 : index
    %swap3A_68 = vector.load %arg4[%swap3A, %swap3A_67] : memref<256x2304xbf16, #tpu.memory_space<vmem>>, vector<256x2048xbf16>
    tpu.vector_store %arg4[%swap3A, %swap3A_67], %convert_element_type3A_66 {strides = array<i32>} : memref<256x2304xbf16, #tpu.memory_space<vmem>>, vector<256x2048xbf16>,
    %broadcast_in_dim3A_69 = vector.shape_cast %convert_element_type3A_54 : vector<256x1xbf16> to vector<256x1xbf16>
    %broadcast_in_dim3A_70 = vector.broadcast %broadcast_in_dim3A_69 : vector<256x1xbf16> to vector<256x128xbf16>
    %swap3A_71 = arith.constant 0 : index
    %swap3A_72 = arith.constant 2048 : index
    %swap3A_73 = vector.load %arg4[%swap3A_71, %swap3A_72] : memref<256x2304xbf16, #tpu.memory_space<vmem>>, vector<256x128xbf16>
    tpu.vector_store %arg4[%swap3A_71, %swap3A_72], %broadcast_in_dim3A_70 {strides = array<i32>} : memref<256x2304xbf16, #tpu.memory_space<vmem>>, vector<256x128xbf16>,
    %broadcast_in_dim3A_74 = vector.shape_cast %convert_element_type3A_57 : vector<256x1xbf16> to vector<256x1xbf16>
    %broadcast_in_dim3A_75 = vector.broadcast %broadcast_in_dim3A_74 : vector<256x1xbf16> to vector<256x128xbf16>
    %swap3A_76 = arith.constant 0 : index
    %swap3A_77 = arith.constant 2176 : index
    %swap3A_78 = vector.load %arg4[%swap3A_76, %swap3A_77] : memref<256x2304xbf16, #tpu.memory_space<vmem>>, vector<256x128xbf16>
    tpu.vector_store %arg4[%swap3A_76, %swap3A_77], %broadcast_in_dim3A_75 {strides = array<i32>} : memref<256x2304xbf16, #tpu.memory_space<vmem>>, vector<256x128xbf16>,
    %swap3A_79 = arith.constant 0 : index
    %swap3A_80 = arith.constant 0 : index
    %swap3A_81 = vector.load %arg5[%swap3A_79, %swap3A_80] : memref<256x1xi32, #tpu.memory_space<vmem>>, vector<256x1xi32>
    tpu.vector_store %arg5[%swap3A_79, %swap3A_80], %select_n3A_65 {strides = array<i32>} : memref<256x1xi32, #tpu.memory_space<vmem>>, vector<256x1xi32>,
    %get3A_82 = arith.constant 0 : index
    %get3A_83 = arith.constant 0 : index
    %get3A_84 = vector.load %arg7[%get3A_82, %get3A_83] : memref<1x8xf32, #tpu.memory_space<vmem>>, vector<1x8xf32>
    %reduce_sum3A_85 = arith.constant dense<0.000000e+00> : vector<8xf32>
    %reduce_sum3A_86 = vector.multi_reduction <add>, %convert_element_type3A_25, %reduce_sum3A_85 [0] : vector<256x8xf32> to vector<8xf32>
    %broadcast_in_dim3A_87 = vector.shape_cast %reduce_sum3A_86 : vector<8xf32> to vector<1x8xf32>
    %add3A_88 = arith.addf %get3A_84, %broadcast_in_dim3A_87 : vector<1x8xf32>
    %swap3A_89 = arith.constant 0 : index
    %swap3A_90 = arith.constant 0 : index
    %swap3A_91 = vector.load %arg7[%swap3A_89, %swap3A_90] : memref<1x8xf32, #tpu.memory_space<vmem>>, vector<1x8xf32>
    tpu.vector_store %arg7[%swap3A_89, %swap3A_90], %add3A_88 {strides = array<i32>} : memref<1x8xf32, #tpu.memory_space<vmem>>, vector<1x8xf32>,
    %get3A_92 = arith.constant 0 : index
    %get3A_93 = arith.constant 0 : index
    %get3A_94 = vector.load %arg8[%get3A_92, %get3A_93] : memref<1x8xf32, #tpu.memory_space<vmem>>, vector<1x8xf32>
    %reduce_sum3A_95 = arith.constant dense<0.000000e+00> : vector<8xf32>
    %reduce_sum3A_96 = vector.multi_reduction <add>, %div3A_16, %reduce_sum3A_95 [0] : vector<256x8xf32> to vector<8xf32>
    %broadcast_in_dim3A_97 = vector.shape_cast %reduce_sum3A_96 : vector<8xf32> to vector<1x8xf32>
    %add3A_98 = arith.addf %get3A_94, %broadcast_in_dim3A_97 : vector<1x8xf32>
    %swap3A_99 = arith.constant 0 : index
    %swap3A_100 = arith.constant 0 : index
    %swap3A_101 = vector.load %arg8[%swap3A_99, %swap3A_100] : memref<1x8xf32, #tpu.memory_space<vmem>>, vector<1x8xf32>
    tpu.vector_store %arg8[%swap3A_99, %swap3A_100], %add3A_98 {strides = array<i32>} : memref<1x8xf32, #tpu.memory_space<vmem>>, vector<1x8xf32>,
    %get3A_102 = arith.constant 0 : index
    %get3A_103 = arith.constant 0 : index
    %get3A_104 = vector.load %arg9[%get3A_102, %get3A_103] : memref<1x8xf32, #tpu.memory_space<vmem>>, vector<1x8xf32>
    %reduce_sum3A_105 = arith.constant dense<0.000000e+00> : vector<8xf32>
    %reduce_sum3A_106 = vector.multi_reduction <add>, %convert_element_type3A_25, %reduce_sum3A_105 [0] : vector<256x8xf32> to vector<8xf32>
    %broadcast_in_dim3A_107 = vector.shape_cast %reduce_sum3A_106 : vector<8xf32> to vector<1x8xf32>
    %add3A_108 = arith.addf %get3A_104, %broadcast_in_dim3A_107 : vector<1x8xf32>
    %swap3A_109 = arith.constant 0 : index
    %swap3A_110 = arith.constant 0 : index
    %swap3A_111 = vector.load %arg9[%swap3A_109, %swap3A_110] : memref<1x8xf32, #tpu.memory_space<vmem>>, vector<1x8xf32>
    tpu.vector_store %arg9[%swap3A_109, %swap3A_110], %add3A_108 {strides = array<i32>} : memref<1x8xf32, #tpu.memory_space<vmem>>, vector<1x8xf32>,
    %eq3A_112 = arith.constant 15 : i32
    %eq3A_113 = arith.cmpi eq, %arg0, %eq3A_112 : i32
    %convert_element_type3A_114 = arith.extui %eq3A_113 : i1 to i32
    %cond3A_115 = arith.constant 0 : i32
    %cond3A_116 = arith.cmpi ne, %convert_element_type3A_114, %cond3A_115 : i32
    scf.if %cond3A_116 {
      %get3A_117 = arith.constant 0 : index
      %get3A_118 = arith.constant 0 : index
      %get3A_119 = vector.load %arg8[%get3A_117, %get3A_118] : memref<1x8xf32, #tpu.memory_space<vmem>>, vector<1x8xf32>
      %div3A_120 = arith.constant 4.096000e+03 : f32
      %div3A_121 = vector.broadcast %div3A_120 : f32 to vector<1x8xf32>
      %div3A_122 = arith.divf %get3A_119, %div3A_121 : vector<1x8xf32>
      %get3A_123 = arith.constant 0 : index
      %get3A_124 = arith.constant 0 : index
      %get3A_125 = vector.load %arg9[%get3A_123, %get3A_124] : memref<1x8xf32, #tpu.memory_space<vmem>>, vector<1x8xf32>
      %div3A_126 = arith.constant 4.096000e+03 : f32
      %div3A_127 = vector.broadcast %div3A_126 : f32 to vector<1x8xf32>
      %div3A_128 = arith.divf %get3A_125, %div3A_127 : vector<1x8xf32>
      %mul3A_129 = arith.mulf %div3A_122, %div3A_128 : vector<1x8xf32>
      %reduce_sum3A_130 = vector.shape_cast %mul3A_129 : vector<1x8xf32> to vector<1x1x8xf32>
      %reduce_sum3A_131 = arith.constant dense<0.000000e+00> : vector<1xf32>
      %reduce_sum3A_132 = vector.multi_reduction <add>, %reduce_sum3A_130, %reduce_sum3A_131 [1, 2] : vector<1x1x8xf32> to vector<1xf32>
      %reduce_sum3A_133 = vector.shape_cast %reduce_sum3A_132 : vector<1xf32> to vector<1x1x1xf32>
      %reduce_sum3A_134 = vector.extract %reduce_sum3A_133[0, 0, 0] : f32 from vector<1x1x1xf32>
      %mul3A_135 = arith.constant 8.000000e+00 : f32
      %mul3A_136 = arith.mulf %mul3A_135, %reduce_sum3A_134 : f32
      %broadcast_in_dim3A_137 = arith.constant 0.00999999977 : f32
      %broadcast_in_dim3A_138 = vector.broadcast %broadcast_in_dim3A_137 : f32 to vector<1x1xf32>
      %mul3A_139 = vector.broadcast %mul3A_136 : f32 to vector<1x1xf32>
      %mul3A_140 = arith.mulf %broadcast_in_dim3A_138, %mul3A_139 : vector<1x1xf32>
      %swap3A_141 = arith.constant 0 : index
      %swap3A_142 = arith.constant 0 : index
      %swap3A_143 = vector.load %arg6[%swap3A_141, %swap3A_142] : memref<1x1xf32, #tpu.memory_space<vmem>>, vector<1x1xf32>
      tpu.vector_store %arg6[%swap3A_141, %swap3A_142], %mul3A_140 {strides = array<i32>} : memref<1x1xf32, #tpu.memory_space<vmem>>, vector<1x1xf32>,
    } else {
    }
    return
  }
  func.func @transform_0(%arg0: i32) -> (i32, i32) {
    %c0_i32 = arith.constant 0 : i32
    %c0_i32_0 = arith.constant 0 : i32
    return %arg0, %c0_i32 : i32, i32
  }
  func.func @transform_1(%arg0: i32) -> (i32, i32) {
    %c0_i32 = arith.constant 0 : i32
    %c0_i32_0 = arith.constant 0 : i32
    %c0_i32_1 = arith.constant 0 : i32
    return %c0_i32, %c0_i32_0 : i32, i32
  }
  func.func @transform_2(%arg0: i32) -> (i32, i32) {
    %c0_i32 = arith.constant 0 : i32
    %c0_i32_0 = arith.constant 0 : i32
    %c0_i32_1 = arith.constant 0 : i32
    return %c0_i32, %c0_i32_0 : i32, i32
  }
  func.func @transform_3(%arg0: i32) -> (i32, i32) {
    %c0_i32 = arith.constant 0 : i32
    %c0_i32_0 = arith.constant 0 : i32
    return %arg0, %c0_i32 : i32, i32
  }
  func.func @transform_4(%arg0: i32) -> (i32, i32) {
    %c0_i32 = arith.constant 0 : i32
    %c0_i32_0 = arith.constant 0 : i32
    return %arg0, %c0_i32 : i32, i32
  }
  func.func @transform_5(%arg0: i32) -> (i32, i32) {
    %c0_i32 = arith.constant 0 : i32
    %c0_i32_0 = arith.constant 0 : i32
    %c0_i32_1 = arith.constant 0 : i32
    return %c0_i32, %c0_i32_0 : i32, i32
  }
}

module attributes {stable_mosaic.version = 14 : i64} {
  func.func @_mlp_kernel(%arg0: i32, %arg1: i32, %arg2: memref<648x2304xbf16, #tpu.memory_space<vmem>>, %arg3: memref<1x1024x2048xf32, #tpu.memory_space<vmem>>, %arg4: memref<1x1x1024xf32, #tpu.memory_space<vmem>>, %arg5: memref<1x2048x1024xf32, #tpu.memory_space<vmem>>, %arg6: memref<1x1x2048xf32, #tpu.memory_space<vmem>>, %arg7: memref<648x2048xf32, #tpu.memory_space<vmem>>) attributes {dimension_semantics = [#tpu.dimension_semantics<arbitrary>, #tpu.dimension_semantics<arbitrary>], iteration_bounds = array<i64: 8, 8>, scalar_prefetch = 0 : i64, scratch_operands = 0 : i64, tpu.core_type = #tpu.core_type<tc>, window_params = [{transform_indices = @transform_0, window_bounds = array<i64: 648, 2304>}, {transform_indices = @transform_1, window_bounds = array<i64: 1, 1024, 2048>}, {transform_indices = @transform_2, window_bounds = array<i64: 1, 1, 1024>}, {transform_indices = @transform_3, window_bounds = array<i64: 1, 2048, 1024>}, {transform_indices = @transform_4, window_bounds = array<i64: 1, 1, 2048>}, {transform_indices = @transform_5, window_bounds = array<i64: 648, 2048>}]} {
    %get3A = arith.constant 0 : index
    %get3A_0 = arith.constant 0 : index
    %get3A_1 = vector.load %arg2[%get3A, %get3A_0] : memref<648x2304xbf16, #tpu.memory_space<vmem>>, vector<648x2048xbf16>
    %get3A_2 = arith.constant 0 : index
    %get3A_3 = arith.constant 0 : index
    %get3A_4 = arith.constant 0 : index
    %get3A_5 = vector.load %arg3[%get3A_2, %get3A_3, %get3A_4] : memref<1x1024x2048xf32, #tpu.memory_space<vmem>>, vector<1x1024x2048xf32>
    %get3A_6 = vector.shape_cast %get3A_5 : vector<1x1024x2048xf32> to vector<1024x2048xf32>
    %convert_element_type3A = arith.truncf %get3A_6 : vector<1024x2048xf32> to vector<1024x2048xbf16>
    %dot_general3A = arith.constant dense<0.000000e+00> : vector<648x1024xf32>
    %dot_general3A_7 = tpu.matmul %get3A_1, %convert_element_type3A, %dot_general3A {dimension_numbers = #tpu.dot_dimension_numbers<[1], [1], [0], [0], [0, 0, 1, 0], [], []>, transpose_lhs_hint = false} : vector<648x2048xbf16>, vector<1024x2048xbf16>, vector<648x1024xf32> -> vector<648x1024xf32>
    %get3A_8 = arith.constant 0 : index
    %get3A_9 = arith.constant 0 : index
    %get3A_10 = arith.constant 0 : index
    %get3A_11 = vector.load %arg4[%get3A_8, %get3A_9, %get3A_10] : memref<1x1x1024xf32, #tpu.memory_space<vmem>>, vector<1x1x1024xf32>
    %get3A_12 = vector.shape_cast %get3A_11 : vector<1x1x1024xf32> to vector<1x1024xf32>
    %add3A = vector.broadcast %get3A_12 : vector<1x1024xf32> to vector<648x1024xf32>
    %add3A_13 = arith.addf %dot_general3A_7, %add3A : vector<648x1024xf32>
    %integer_pow3A = arith.mulf %add3A_13, %add3A_13 : vector<648x1024xf32>
    %integer_pow3A_14 = arith.mulf %add3A_13, %integer_pow3A : vector<648x1024xf32>
    %mul3A = arith.constant 4.471500e-02 : f32
    %mul3A_15 = vector.broadcast %mul3A : f32 to vector<648x1024xf32>
    %mul3A_16 = arith.mulf %mul3A_15, %integer_pow3A_14 : vector<648x1024xf32>
    %add3A_17 = arith.addf %add3A_13, %mul3A_16 : vector<648x1024xf32>
    %mul3A_18 = arith.constant 0.797884583 : f32
    %mul3A_19 = vector.broadcast %mul3A_18 : f32 to vector<648x1024xf32>
    %mul3A_20 = arith.mulf %mul3A_19, %add3A_17 : vector<648x1024xf32>
    %tanh3A = math.tanh %mul3A_20 : vector<648x1024xf32>
    %add3A_21 = arith.constant 1.000000e+00 : f32
    %add3A_22 = vector.broadcast %add3A_21 : f32 to vector<648x1024xf32>
    %add3A_23 = arith.addf %add3A_22, %tanh3A : vector<648x1024xf32>
    %mul3A_24 = arith.constant 5.000000e-01 : f32
    %mul3A_25 = vector.broadcast %mul3A_24 : f32 to vector<648x1024xf32>
    %mul3A_26 = arith.mulf %mul3A_25, %add3A_23 : vector<648x1024xf32>
    %mul3A_27 = arith.mulf %add3A_13, %mul3A_26 : vector<648x1024xf32>
    %get3A_28 = arith.constant 0 : index
    %get3A_29 = arith.constant 0 : index
    %get3A_30 = arith.constant 0 : index
    %get3A_31 = vector.load %arg5[%get3A_28, %get3A_29, %get3A_30] : memref<1x2048x1024xf32, #tpu.memory_space<vmem>>, vector<1x2048x1024xf32>
    %get3A_32 = vector.shape_cast %get3A_31 : vector<1x2048x1024xf32> to vector<2048x1024xf32>
    %convert_element_type3A_33 = arith.truncf %get3A_32 : vector<2048x1024xf32> to vector<2048x1024xbf16>
    %convert_element_type3A_34 = arith.truncf %mul3A_27 : vector<648x1024xf32> to vector<648x1024xbf16>
    %dot_general3A_35 = arith.constant dense<0.000000e+00> : vector<648x2048xf32>
    %dot_general3A_36 = tpu.matmul %convert_element_type3A_34, %convert_element_type3A_33, %dot_general3A_35 {dimension_numbers = #tpu.dot_dimension_numbers<[1], [1], [0], [0], [0, 0, 1, 0], [], []>, transpose_lhs_hint = false} : vector<648x1024xbf16>, vector<2048x1024xbf16>, vector<648x2048xf32> -> vector<648x2048xf32>
    %eq3A = arith.constant 0 : i32
    %eq3A_37 = arith.cmpi eq, %arg1, %eq3A : i32
    %convert_element_type3A_38 = arith.extui %eq3A_37 : i1 to i32
    %cond3A = arith.constant 0 : i32
    %cond3A_39 = arith.cmpi ne, %convert_element_type3A_38, %cond3A : i32
    scf.if %cond3A_39 {
      %swap3A = arith.constant 0 : index
      %swap3A_49 = arith.constant 0 : index
      %swap3A_50 = vector.load %arg7[%swap3A, %swap3A_49] : memref<648x2048xf32, #tpu.memory_space<vmem>>, vector<648x2048xf32>
      tpu.vector_store %arg7[%swap3A, %swap3A_49], %dot_general3A_36 {strides = array<i32>} : memref<648x2048xf32, #tpu.memory_space<vmem>>, vector<648x2048xf32>,
    } else {
    }
    %gt3A = arith.constant 0 : i32
    %gt3A_40 = arith.cmpi sgt, %arg1, %gt3A : i32
    %convert_element_type3A_41 = arith.extui %gt3A_40 : i1 to i32
    %cond3A_42 = arith.constant 0 : i32
    %cond3A_43 = arith.cmpi ne, %convert_element_type3A_41, %cond3A_42 : i32
    scf.if %cond3A_43 {
      %get3A_49 = arith.constant 0 : index
      %get3A_50 = arith.constant 0 : index
      %get3A_51 = vector.load %arg7[%get3A_49, %get3A_50] : memref<648x2048xf32, #tpu.memory_space<vmem>>, vector<648x2048xf32>
      %add3A_52 = arith.addf %get3A_51, %dot_general3A_36 : vector<648x2048xf32>
      %swap3A = arith.constant 0 : index
      %swap3A_53 = arith.constant 0 : index
      %swap3A_54 = vector.load %arg7[%swap3A, %swap3A_53] : memref<648x2048xf32, #tpu.memory_space<vmem>>, vector<648x2048xf32>
      tpu.vector_store %arg7[%swap3A, %swap3A_53], %add3A_52 {strides = array<i32>} : memref<648x2048xf32, #tpu.memory_space<vmem>>, vector<648x2048xf32>,
    } else {
    }
    %eq3A_44 = arith.constant 7 : i32
    %eq3A_45 = arith.cmpi eq, %arg1, %eq3A_44 : i32
    %convert_element_type3A_46 = arith.extui %eq3A_45 : i1 to i32
    %cond3A_47 = arith.constant 0 : i32
    %cond3A_48 = arith.cmpi ne, %convert_element_type3A_46, %cond3A_47 : i32
    scf.if %cond3A_48 {
      %get3A_49 = arith.constant 0 : index
      %get3A_50 = arith.constant 2048 : index
      %get3A_51 = vector.load %arg2[%get3A_49, %get3A_50] : memref<648x2304xbf16, #tpu.memory_space<vmem>>, vector<648x128xbf16>
      %convert_element_type3A_52 = arith.extf %get3A_51 : vector<648x128xbf16> to vector<648x128xf32>
      %reduce_max3A = arith.constant dense<0xFF800000> : vector<648xf32>
      %reduce_max3A_53 = vector.multi_reduction <maximumf>, %convert_element_type3A_52, %reduce_max3A [1] : vector<648x128xf32> to vector<648xf32>
      %broadcast_in_dim3A = vector.shape_cast %reduce_max3A_53 : vector<648xf32> to vector<648x1xf32>
      %get3A_54 = arith.constant 0 : index
      %get3A_55 = arith.constant 2176 : index
      %get3A_56 = vector.load %arg2[%get3A_54, %get3A_55] : memref<648x2304xbf16, #tpu.memory_space<vmem>>, vector<648x128xbf16>
      %convert_element_type3A_57 = arith.extf %get3A_56 : vector<648x128xbf16> to vector<648x128xf32>
      %reduce_max3A_58 = arith.constant dense<0xFF800000> : vector<648xf32>
      %reduce_max3A_59 = vector.multi_reduction <maximumf>, %convert_element_type3A_57, %reduce_max3A_58 [1] : vector<648x128xf32> to vector<648xf32>
      %broadcast_in_dim3A_60 = vector.shape_cast %reduce_max3A_59 : vector<648xf32> to vector<648x1xf32>
      %add3A_61 = arith.addf %broadcast_in_dim3A, %broadcast_in_dim3A_60 : vector<648x1xf32>
      %get3A_62 = arith.constant 0 : index
      %get3A_63 = arith.constant 0 : index
      %get3A_64 = vector.load %arg7[%get3A_62, %get3A_63] : memref<648x2048xf32, #tpu.memory_space<vmem>>, vector<648x2048xf32>
      %get3A_65 = arith.constant 0 : index
      %get3A_66 = arith.constant 0 : index
      %get3A_67 = arith.constant 0 : index
      %get3A_68 = vector.load %arg6[%get3A_65, %get3A_66, %get3A_67] : memref<1x1x2048xf32, #tpu.memory_space<vmem>>, vector<1x1x2048xf32>
      %get3A_69 = vector.shape_cast %get3A_68 : vector<1x1x2048xf32> to vector<1x2048xf32>
      %add3A_70 = vector.broadcast %get3A_69 : vector<1x2048xf32> to vector<648x2048xf32>
      %add3A_71 = arith.addf %get3A_64, %add3A_70 : vector<648x2048xf32>
      %mul3A_72 = vector.broadcast %add3A_61 : vector<648x1xf32> to vector<648x2048xf32>
      %mul3A_73 = arith.mulf %add3A_71, %mul3A_72 : vector<648x2048xf32>
      %swap3A = arith.constant 0 : index
      %swap3A_74 = arith.constant 0 : index
      %swap3A_75 = vector.load %arg7[%swap3A, %swap3A_74] : memref<648x2048xf32, #tpu.memory_space<vmem>>, vector<648x2048xf32>
      tpu.vector_store %arg7[%swap3A, %swap3A_74], %mul3A_73 {strides = array<i32>} : memref<648x2048xf32, #tpu.memory_space<vmem>>, vector<648x2048xf32>,
    } else {
    }
    return
  }
  func.func @transform_0(%arg0: i32, %arg1: i32) -> (i32, i32) {
    %c0_i32 = arith.constant 0 : i32
    %c0_i32_0 = arith.constant 0 : i32
    return %arg0, %c0_i32 : i32, i32
  }
  func.func @transform_1(%arg0: i32, %arg1: i32) -> (i32, i32, i32) {
    %c0_i32 = arith.constant 0 : i32
    %c0_i32_0 = arith.constant 0 : i32
    return %arg0, %arg1, %c0_i32 : i32, i32, i32
  }
  func.func @transform_2(%arg0: i32, %arg1: i32) -> (i32, i32, i32) {
    %mul3A = arith.constant 8 : i32
    %mul3A_0 = arith.muli %arg0, %mul3A : i32
    %add3A = arith.addi %mul3A_0, %arg1 : i32
    %c0_i32 = arith.constant 0 : i32
    %c0_i32_1 = arith.constant 0 : i32
    %c0_i32_2 = arith.constant 0 : i32
    return %add3A, %c0_i32, %c0_i32_1 : i32, i32, i32
  }
  func.func @transform_3(%arg0: i32, %arg1: i32) -> (i32, i32, i32) {
    %c0_i32 = arith.constant 0 : i32
    %c0_i32_0 = arith.constant 0 : i32
    return %arg0, %c0_i32, %arg1 : i32, i32, i32
  }
  func.func @transform_4(%arg0: i32, %arg1: i32) -> (i32, i32, i32) {
    %c0_i32 = arith.constant 0 : i32
    %c0_i32_0 = arith.constant 0 : i32
    %c0_i32_1 = arith.constant 0 : i32
    return %arg0, %c0_i32, %c0_i32_0 : i32, i32, i32
  }
  func.func @transform_5(%arg0: i32, %arg1: i32) -> (i32, i32) {
    %c0_i32 = arith.constant 0 : i32
    %c0_i32_0 = arith.constant 0 : i32
    return %arg0, %c0_i32 : i32, i32
  }
}

</mosaic_0001>

<sc_bundles>
// kernel: kernel.6.cloned.1.call-start
scs
__scs_entry_jumppad:
0x0: {  	(pc) =	sbr.rel $0x88, $3  }
0x1: {  	(tag) =	ssettag $0x0;
	lr =	simm.s32 $0x1  }
0x2: {  	[smem:$0x3F9A] =	sst lr;
	_ =	strace $0xD0000000  }
0x3: {  	_ = 	snop  }
0x4: {  	_ = 	snop  }
0x5: {  	_ = 	snop  }
0x6: {  	_ = 	snop  }
0x7: {  	_ = 	snop  }
__scs_overlays_trampoline_lowered:
0x8: {  	[smem:$0x3FA9] =	sst s0  }
0x9: {  	[smem:$0x3FAA] =	sst s1  }
0xa: {  	[smem:$0x3FAB] =	sst s2  }
0xb: {  	[smem:$0x3FAC] =	sst s3  }
0xc: {  	[smem:$0x3FAD] =	sst s4  }
0xd: {  	[smem:$0x3FAE] =	sst s5  }
0xe: {  	[smem:$0x3FAF] =	sst s6  }
0xf: {  	[smem:$0x3FB0] =	sst s7  }
0x10: {  	[smem:$0x3FB1] =	sst s8  }
0x11: {  	[smem:$0x3FB2] =	sst s9;
	s0 =	simm.s32 @!p0 $0x0  }
0x12: {  	s1 =	sld [smem:$0x3F98];
	s0 =	simm.s32 @p0 $0x1  }
0x13: {  	[smem:$0x3FB3] =	sst s0;
	s0 =	simm.s32 @!p1 $0x0  }
0x14: {  	s2 =	sld [smem:$0x3F97];
	s0 =	simm.s32 @p1 $0x1  }
0x15: {  	[smem:$0x3FB4] =	sst s0;
	s0 =	simm.s32 @!p2 $0x0  }
0x16: {  	s3 =	sld [smem:$0x3FDB];
	s0 =	simm.s32 @p2 $0x1  }
0x17: {  	s4 =	simm.s32 $0x1BF5;
	[smem:$0x3FB6] =	sst s0  }
0x18: {  	s0 =	sld [smem:$0x3F99];
	_ =	swait.ge [sflag:s4], $0x0  }
0x19: {  	s7 =	sld [smem:$0x3F9A]  }
0x1a: {  	s8 =	sadd.s32 $0xFFFFE003, lr  }
0x1b: {  	s9 =	sadd.s32 $0xFFFFFEF7, lr;
	s5 =	simm.s32 $0xFFFFFFFF;
	p2 =	slt.u32 s8, $0xFFFFF086  }
0x1c: {  	p1 =	slt.u32 s9, $0xF7A;
	s5 =	simm.s32 @!p2 $0x0  }
0x1d: {  	s5 =	simm.s32 @p1 $0x1;
	p0 =	seq.s32 s7, s2  }
0x1e: {  	s7 =	smul.u32 @!p0 $0xF7A, s2;
	p2 =	seq.s32 @!p0 s5, $0x0  }
0x1f: {  	s9 =	smul.u32 $0xF7A, s1;
	s8 =	simm.s32 @!p0 $0x1BF5;
	p2 =	por !p2, p0  }
0x20: {  	[sflag:s8] =	ssyncset.s32 @!p0 $0xFFFFF086;
	s6 =	sadd.s32 @!p0 s3, s7;
	s7 =	simm.s32 @!p0 $0x108  }
0x21: {  	s3 =	sadd.s32 s3, s9;
	s6 =	sadd.s32 @!p0 $0x88, s6;
	s7 =	simm.s32 @p2 $0x1082  }
0x22: {  	[simem:s7], [sflag:s8] =	dma.local @!p0 [hbm:s6], $0xF7A  }
0x23: {  	s9 =	sor.u32 $0xD0000000, s2;
	s6 =	simm.s32 $0x108;
	_ =	swait.ge @!p0 [sflag:s8], $0x0  }
0x24: {  	s3 =	sadd.s32 $0x88, s3;
	s6 =	simm.s32 @!p1 $0x1082;
	[sflag:s4] =	ssyncset.s32 $0xFFFFF086  }
0x25: {  	[simem:s6], [sflag:s4] =	dma.local [hbm:s3], $0xF7A  }
0x26: {  	[smem:$0x3F9A] =	sst s1;
	(tag) =	ssettag s2;
	_ =	strace s9  }
0x27: {  	s1 =	sld [smem:$0x3FAA]  }
0x28: {  	s2 =	sld [smem:$0x3FAB]  }
0x29: {  	s4 =	sld [smem:$0x3FAD]  }
0x2a: {  	p0 =	seq.s32 s5, $0x0;
	s5 =	sld [smem:$0x3FAE]  }
0x2b: {  	s6 =	sld [smem:$0x3FAF]  }
0x2c: {  	s7 =	sld [smem:$0x3FB0]  }
0x2d: {  	s3 =	simm.s32 $0x108;
	s8 =	sld [smem:$0x3FB1]  }
0x2e: {  	s3 =	simm.s32 @!p0 $0x1082;
	s9 =	sld [smem:$0x3FB2]  }
0x2f: {  	lr =	sadd.s32 s0, s3;
	s0 =	sld [smem:$0x3FA9]  }
0x30: {  	s3 =	sld [smem:$0x3FAC]  }
0x31: {  	[smem:$0x3FB5] =	sst s10  }
0x32: {  	s10 =	sld [smem:$0x3FB3];
	_ =	sdelay $0x3  }
0x33: {  	p0 =	seq.s32 s10, $0x1;
	s10 =	sld [smem:$0x3FB5];
	_ =	sdelay $0x3  }
0x34: {  	[smem:$0x3FB5] =	sst s10  }
0x35: {  	s10 =	sld [smem:$0x3FB4];
	_ =	sdelay $0x3  }
0x36: {  	p1 =	seq.s32 s10, $0x1;
	s10 =	sld [smem:$0x3FB5];
	_ =	sdelay $0x3  }
0x37: {  	[smem:$0x3FB5] =	sst s10  }
0x38: {  	s10 =	sld [smem:$0x3FB6]  }
0x39: {  	_ = 	snop;
	(pc) =	sbr.ind lr, $3  }
0x3a: {  	_ = 	snop  }
0x3b: {  	_ = 	snop  }
0x3c: {  	p2 =	seq.s32 s10, $0x1;
	s10 =	sld [smem:$0x3FB5]  }
0x3d: {  	_ =	shalt  }
0x3e: {  	_ =	shalt  }
0x3f: {  	_ =	shalt  }
0x40: {  	_ =	shalt  }
0x41: {  	_ =	shalt  }
0x42: {  	_ =	shalt  }
0x43: {  	_ =	shalt  }
0x44: {  	_ =	shalt  }
0x45: {  	_ =	shalt  }
0x46: {  	_ =	shalt  }
0x47: {  	_ =	shalt  }
0x48: {  	_ =	shalt  }
0x49: {  	_ =	shalt  }
0x4a: {  	_ =	shalt  }
0x4b: {  	_ =	shalt  }
0x4c: {  	_ =	shalt  }
0x4d: {  	_ =	shalt  }
0x4e: {  	_ =	shalt  }
0x4f: {  	_ =	shalt  }
0x50: {  	_ =	shalt  }
0x51: {  	_ =	shalt  }
0x52: {  	_ =	shalt  }
0x53: {  	_ =	shalt  }
0x54: {  	_ =	shalt  }
0x55: {  	_ =	shalt  }
0x56: {  	_ =	shalt  }
0x57: {  	_ =	shalt  }
0x58: {  	_ =	shalt  }
0x59: {  	_ =	shalt  }
0x5a: {  	_ =	shalt  }
0x5b: {  	_ =	shalt  }
0x5c: {  	_ =	shalt  }
0x5d: {  	_ =	shalt  }
0x5e: {  	_ =	shalt  }
0x5f: {  	_ =	shalt  }
0x60: {  	_ =	shalt  }
0x61: {  	_ =	shalt  }
0x62: {  	_ =	shalt  }
0x63: {  	_ =	shalt  }
0x64: {  	_ =	shalt  }
0x65: {  	_ =	shalt  }
0x66: {  	_ =	shalt  }
0x67: {  	_ =	shalt  }
0x68: {  	_ =	shalt  }
0x69: {  	_ =	shalt  }
0x6a: {  	_ =	shalt  }
0x6b: {  	_ =	shalt  }
0x6c: {  	_ =	shalt  }
0x6d: {  	_ =	shalt  }
0x6e: {  	_ =	shalt  }
0x6f: {  	_ =	shalt  }
0x70: {  	_ =	shalt  }
0x71: {  	_ =	shalt  }
0x72: {  	_ =	shalt  }
0x73: {  	_ =	shalt  }
0x74: {  	_ =	shalt  }
0x75: {  	_ =	shalt  }
0x76: {  	_ =	shalt  }
0x77: {  	_ =	shalt  }
0x78: {  	_ =	shalt  }
0x79: {  	_ =	shalt  }
0x7a: {  	_ =	shalt  }
0x7b: {  	_ =	shalt  }
0x7c: {  	_ =	shalt  }
0x7d: {  	_ =	shalt  }
0x7e: {  	_ =	shalt  }
0x7f: {  	_ =	shalt  }
0x80: {  	_ =	shalt  }
0x81: {  	_ =	shalt  }
0x82: {  	_ =	shalt  }
0x83: {  	_ =	shalt  }
0x84: {  	_ =	shalt  }
0x85: {  	_ =	shalt  }
0x86: {  	_ =	shalt  }
0x87: {  	_ =	shalt  }
.Lfunc_end0:
.L_simem_size_0:
called_computation.2_lowered:
.L_overlay_start_0:
0x88: {  	s2 =	sld [smem:$0x3FD9]  }
0x89: {  	s3 =	sld [smem:$0x3FFE];
	_ =	sdelay $0x1  }
0x8a: {  	s1 =	srdreg.scid  }
0x8b: {  	s0 =	sand.u32 $0x1, s1  }
0x8c: {  	s16 =	sshll.u32 s0, $0xA;
	s2 =	sadd.s32 s3, s2  }
0x8d: {  	s2 =	sadd.s32 s2, s16  }
0x8e: {  	[smem:$0x3FC1] =	sst s2  }
0x8f: {  	_ = 	snop  }
0x90: {  	(tm) =	ssettm $0x1  }
0x91: {  	s17 =	sld [smem:$0x3FFB];
	_ =	sdelay $0x3  }
0x92: {  	_ =	strace s17  }
0x93: {  	s2 =	sld [smem:$0x3FFC];
	_ =	sdelay $0x3  }
0x94: {  	_ =	strace s2  }
0x95: {  	s2 =	sld [smem:$0x3FFD];
	_ =	sdelay $0x3  }
0x96: {  	_ =	strace s2  }
0x97: {  	_ =	strace $0x8FFFFFFF  }
0x98: {  	s18 =	sld [smem:$0x3FDB];
	_ =	sdelay $0x1  }
0x99: {  	s19 =	simm.s32 $_scs_section_size  }
0x9a: {  	s4 =	simm.s32 $_size__tile_overlayer_lowered;
	s5 =	simm.s32 $_tile_overlayer_lowered  }
0x9b: {  	s22 =	simm.s32 $0x1BFF;
	s21 =	sshll.u32 s5, $0x1;
	s2 =	sadd.s32 s19, s18  }
0x9c: {  	s6 =	simm.s32 $0x0;
	s20 =	sshll.u32 s4, $0x1;
	s4 =	sadd.s32 s21, s2  }
0x9d: {  	[timem:s6], [sflag:s22] =	dma.local [hbm:s4], s20  }
0x9e: {  	_ =	swait.ge [sflag:s22], s20  }
0x9f: {  	s3 =	ssub.s32 $0x0, s20;
	[sflag:s22] =	ssyncset.done $0x0  }
0xa0: {  	[sflag:s22] =	ssyncadd.s32 s3;
	_ =	sdelay $0x1  }
0xa1: {  	s23 =	simm.s32 $0x1B8B  }
0xa2: {  	_ =	swait.ge [sflag:s23], $0x1  }
0xa3: {  	[sflag:s23] =	ssyncset.done $0x0  }
0xa4: {  	s25 =	simm.s32 $0x1B8E;
	s24 =	sld [smem:$0x3FFE];
	[sflag:s23] =	ssyncadd.s32 $0xFFFFFFFF  }
0xa5: {  	s26 =	simm.s32 $execute0_lowered;
	[smem:$0x3FD2] =	sst s25  }
0xa6: {  	s4 =	sshll.u32 s26, $0x1;
	_ =	strace $0x80000049;
	[dreg:$0x1] =	wrdreg $0xFFFFFFFF  }
0xa7: {  	s28 =	simm.s32 $_size_execute0_lowered;
	s2 =	sadd.s32 s2, s4;
	[dreg:$0x0] =	wrdreg $0x0  }
0xa8: {  	s4 =	sshll.u32 s28, $0x1;
	[dreg:$0x2] =	wrdreg s2  }
0xa9: {  	[dreg:$0x3] =	wrdreg s4  }
0xaa: {  	[dreg:$0x4] =	wrdreg $0xC0  }
0xab: {  	_ =	task [dreg:s6], $0x5FFFF  }
0xac: {  	[dreg:$0x1] =	wrdreg $0xFFFFFFFF  }
0xad: {  	[dreg:$0x0] =	wrdreg $0x60  }
0xae: {  	[dreg:$0x2] =	wrdreg s24  }
0xaf: {  	[dreg:$0x3] =	wrdreg $0x9  }
0xb0: {  	_ =	task.clear_ibuf [dreg:s6], $0x4FFFF;
	_ =	strace $0x90000049  }
0xb1: {  	s29 =	simm.s32 $0x9;
	_ =	strace $0x8000004B  }
0xb2: {  	_ =	swait.ge [sflag:s29], $0x1  }
0xb3: {  	[sflag:s29] =	ssyncadd.s32 $0xFFFFFFFF  }
0xb4: {  	_ =	strace $0x9000004B  }
0xb5: {  	_ =	sfence  }
0xb6: {  	s30 =	sld [smem:$0x0];
	_ =	sdelay $0x2  }
0xb7: {  	s31 =	sshll.u32 s1, $0xD;
	s1 =	sshrl.u32 s1, $0x2  }
0xb8: {  	s3 =	sand.u32 $0x4000, s31;
	s1 =	sadd.s32 s1, s30  }
0xb9: {  	s0 =	sor.u32 s3, s0;
	s1 =	sshll.u32 s1, $0x11  }
0xba: {  	s0 =	sor.u32 s1, s0  }
0xbb: {  	s0 =	sadd.s32 $0x8F2B, s0  }
0xbc: {  	[sflag:s0] =	ssyncadd.remote.s32 $0x1  }
0xbd: {  	_ =	sfence.sel $0xFFFF  }
0xbe: {  	[dreg:$0x0] =	wrdreg $0xFFFFFFFF;
	(pc) =	sbr.abs _section_cstart, $3  }
0xbf: {  	[dreg:$0x1] =	wrdreg $0xFFFFFFFF  }
0xc0: {  	_ =	task.clear_ibuf [dreg:s6], $0x2FFFF;
	_ =	strace $0x9FFFFFFF  }
0xc1: {  	(tm) =	ssettm $0x7FFFFFFF  }
tec
execute0_lowered:
.L_overlay_start_1:
0x0: {  	(tag) =	ssettag $0x1  }
0x1: {  	s0 =	rddreg [dreg:$0x0];
	s3 =	srdreg.scid  }
0x2: {  	s1 =	stileid.u32;
	s2 =	simm.s32 $0x0;
	s11 =	simm.s32 $0x200  }
0x3: {  	s12 =	simm.s32 $0xA00;
	s13 =	simm.s32 $0x1200;
	s14 =	simm.s32 $0x1A00  }
0x4: {  	s15 =	simm.s32 $0x2200;
	s16 =	simm.s32 $0x2600;
	s17 =	simm.s32 $0x2E00  }
0x5: {  	s18 =	simm.s32 $0x3600;
	s19 =	simm.s32 $0x3E00;
	s20 =	simm.s32 $0x4600  }
0x6: {  	s21 =	simm.s32 $0x4A00;
	s22 =	simm.s32 $0x5200;
	s23 =	simm.s32 $0x5A00  }
0x7: {  	s24 =	simm.s32 $0x6200;
	s28 =	simm.s32 $0x7600;
	s29 =	simm.s32 $0x7E00  }
0x8: {  	s30 =	simm.s32 $0x8600;
	s31 =	simm.s32 $0x8E00;
	s3 =	sand.u32 $0x1, s3  }
0x9: {  	s4 =	sshll.u32 s1, $0x1;
	[smem:$0x7FF] =	sst s2;
	s5 =	sadd.s32 $0x1000, s0  }
0xa: {  	s4 =	sor.u32 s3, s4;
	_ =	strace $0x8000004A;
	s7 =	ssub.s32 $0x2, s3  }
0xb: {  	s3 =	sadd.s32 $0x91000, s0;
	s6 =	sshll.u32 s4, $0x6;
	s8 =	smul.u32 $0x24000, s4  }
0xc: {  	s9 =	sshrl.u32 s7, $0x1;
	s4 =	smul.u32 $0x4800, s4;
	s6 =	sadd.s32 s6, s0  }
0xd: {  	s9 =	ssub.s32 s7, s9;
	s7 =	sadd.s32 $0x91400, s0;
	s6 =	sadd.s32 $0x241000, s6  }
0xe: {  	s25 =	sshrl.u32 s8, $0x3;
	s4 =	sadd.s32 s5, s4;
	[dreg:$0x2] =	wrdreg s6  }
0xf: {  	s9 =	smax.u32 s9, $0x1;
	s8 =	sadd.s32 s5, s25;
	[dreg:$0x3] =	wrdreg s4  }
0x10: {  	s4 =	sadd.s32 $0x91100, s0;
	s5 =	sadd.s32 $0x91200, s0;
	s6 =	sadd.s32 $0x91300, s0  }
0x11: {  	v2 =	vlaneseq.u32;
	s25 =	simm.s32 $0x6A00;
	s0 =	simm.s32 $0x1;
	s26 =	sadd.s32 $0x1200, s8  }
0x12: {  	vm0 =	vmmov $0xffff;
	vm1 =	vmmov $0xff;
	v1 =	vshrl.u32 v2, $0x3;
	s10 =	sadd.s32 $0x2400, s8;
	s8 =	sadd.s32 $0x3600, s8;
	[dreg:$0x4] =	wrdreg s26  }
0x13: {  	v0 =	vand.u32 $0x7, v2;
	v2 =	vor.u32 $0x8, v2;
	v1 =	vmul.u32 $0x8, v1;
	[dreg:$0x5] =	wrdreg s10;
	s10 =	simm.s32 $0x2;
	s26 =	simm.s32 $0x6E00  }
.LBB2_1:
0x14: {  	s1 =	rddreg [dreg:$0x2]  }
0x15: {  	[tilespmem:s2], [sflag:$0x2] =	stream.linear.gather [hbm4b:s1+s2], $0x200, $0x38;
	[tilespmem:$0x9200] =	vst v63  }
0x16: {  	_ =	swait.ge [sflag:s10], $0x200  }
0x17: {  	[sflag:s10] =	ssyncset.done $0x0  }
0x18: {  	s1 =	rddreg [dreg:$0x3];
	[sflag:s10] =	ssyncadd.s32 $0xFFFFFE00  }
0x19: {  	[tilespmem:s11], [sflag:$0x2] =	stream.linear.gather [hbm4b:s1+s2], $0x9000, $0x38;
	[tilespmem:$0x9200] =	vst v63  }
0x1a: {  	_ =	swait.ge [sflag:s10], $0x9000  }
0x1b: {  	[sflag:s10] =	ssyncset.done $0x0  }
0x1c: {  	[sflag:s10] =	ssyncadd.s32 $0xFFFF7000  }
0x1d: {  	v3 =	vld [tilespmem:$0x0];
	_ =	sdelay $0x4  }
0x1e: {  	v4 =	vshrl.u32 v3, $0x3  }
0x1f: {  	v4 =	vmul.u32 $0x48, v4  }
0x20: {  	v3 =	vand.u32 $0x7, v3  }
0x21: {  	v3 =	vor.u32 v3, v4  }
0x22: {  	v4 =	vperm.xlane v3, v0;
	_ =	sdelay $0x1  }
0x23: {  	v4 =	vadd.s32 v1, v4;
	_ =	sdelay $0x4  }
0x24: {  	[hbm4b:s3+s2] =	stream.indirect_vreg.scatter [tilespmem:s11], [sflag:$0x1], $0x80, v4, vm0, $0xb8;
	[tilespmem:$0x9200] =	vst v63  }
0x25: {  	_ = 	snop  }
0x26: {  	[hbm4b:s4+s2] =	stream.indirect_vreg.scatter [tilespmem:s12], [sflag:$0x1], $0x80, v4, vm0, $0xb8;
	[tilespmem:$0x9200] =	vst v63  }
0x27: {  	v3 =	vperm.xlane v3, v2  }
0x28: {  	[hbm4b:s5+s2] =	stream.indirect_vreg.scatter [tilespmem:s13], [sflag:$0x1], $0x80, v4, vm0, $0xb8;
	[tilespmem:$0x9200] =	vst v63  }
0x29: {  	v3 =	vadd.s32 v1, v3  }
0x2a: {  	[hbm4b:s6+s2] =	stream.indirect_vreg.scatter [tilespmem:s14], [sflag:$0x1], $0x80, v4, vm0, $0xb8;
	[tilespmem:$0x9200] =	vst v63  }
0x2b: {  	_ = 	snop  }
0x2c: {  	[hbm4b:s7+s2] =	stream.indirect_vreg.scatter [tilespmem:s15], [sflag:$0x1], $0x80, v4, vm1, $0xb8;
	[tilespmem:$0x9200] =	vst v63  }
0x2d: {  	_ = 	snop  }
0x2e: {  	[hbm4b:s3+s2] =	stream.indirect_vreg.scatter [tilespmem:s16], [sflag:$0x1], $0x80, v3, vm0, $0xb8;
	[tilespmem:$0x9200] =	vst v63  }
0x2f: {  	_ = 	snop  }
0x30: {  	[hbm4b:s4+s2] =	stream.indirect_vreg.scatter [tilespmem:s17], [sflag:$0x1], $0x80, v3, vm0, $0xb8;
	[tilespmem:$0x9200] =	vst v63  }
0x31: {  	_ = 	snop  }
0x32: {  	[hbm4b:s5+s2] =	stream.indirect_vreg.scatter [tilespmem:s18], [sflag:$0x1], $0x80, v3, vm0, $0xb8;
	[tilespmem:$0x9200] =	vst v63  }
0x33: {  	_ = 	snop  }
0x34: {  	[hbm4b:s6+s2] =	stream.indirect_vreg.scatter [tilespmem:s19], [sflag:$0x1], $0x80, v3, vm0, $0xb8;
	[tilespmem:$0x9200] =	vst v63  }
0x35: {  	_ = 	snop  }
0x36: {  	[hbm4b:s7+s2] =	stream.indirect_vreg.scatter [tilespmem:s20], [sflag:$0x1], $0x80, v3, vm1, $0xb8;
	[tilespmem:$0x9200] =	vst v63  }
0x37: {  	v3 =	vld [tilespmem:$0x10];
	_ =	sdelay $0x4  }
0x38: {  	v57 =	vshrl.u32 v3, $0x3  }
0x39: {  	v4 =	vmul.u32 $0x48, v57  }
0x3a: {  	v3 =	vand.u32 $0x7, v3  }
0x3b: {  	v3 =	vor.u32 v3, v4  }
0x3c: {  	v4 =	vperm.xlane v3, v0;
	_ =	sdelay $0x1  }
0x3d: {  	v4 =	vadd.s32 v1, v4;
	_ =	sdelay $0x4  }
0x3e: {  	[hbm4b:s3+s2] =	stream.indirect_vreg.scatter [tilespmem:s21], [sflag:$0x1], $0x80, v4, vm0, $0xb8;
	[tilespmem:$0x9200] =	vst v63  }
0x3f: {  	_ = 	snop  }
0x40: {  	[hbm4b:s4+s2] =	stream.indirect_vreg.scatter [tilespmem:s22], [sflag:$0x1], $0x80, v4, vm0, $0xb8;
	[tilespmem:$0x9200] =	vst v63  }
0x41: {  	v3 =	vperm.xlane v3, v2  }
0x42: {  	[hbm4b:s5+s2] =	stream.indirect_vreg.scatter [tilespmem:s23], [sflag:$0x1], $0x80, v4, vm0, $0xb8;
	[tilespmem:$0x9200] =	vst v63  }
0x43: {  	v3 =	vadd.s32 v1, v3  }
0x44: {  	[hbm4b:s6+s2] =	stream.indirect_vreg.scatter [tilespmem:s24], [sflag:$0x1], $0x80, v4, vm0, $0xb8;
	[tilespmem:$0x9200] =	vst v63  }
0x45: {  	_ = 	snop  }
0x46: {  	[hbm4b:s7+s2] =	stream.indirect_vreg.scatter [tilespmem:s25], [sflag:$0x1], $0x80, v4, vm1, $0xb8;
	[tilespmem:$0x9200] =	vst v63  }
0x47: {  	_ = 	snop  }
0x48: {  	[hbm4b:s3+s2] =	stream.indirect_vreg.scatter [tilespmem:s26], [sflag:$0x1], $0x80, v3, vm0, $0xb8;
	[tilespmem:$0x9200] =	vst v63  }
0x49: {  	_ = 	snop  }
0x4a: {  	[hbm4b:s4+s2] =	stream.indirect_vreg.scatter [tilespmem:s28], [sflag:$0x1], $0x80, v3, vm0, $0xb8;
	[tilespmem:$0x9200] =	vst v63  }
0x4b: {  	_ = 	snop  }
0x4c: {  	[hbm4b:s5+s2] =	stream.indirect_vreg.scatter [tilespmem:s29], [sflag:$0x1], $0x80, v3, vm0, $0xb8;
	[tilespmem:$0x9200] =	vst v63  }
0x4d: {  	_ = 	snop  }
0x4e: {  	[hbm4b:s6+s2] =	stream.indirect_vreg.scatter [tilespmem:s30], [sflag:$0x1], $0x80, v3, vm0, $0xb8;
	[tilespmem:$0x9200] =	vst v63  }
0x4f: {  	_ = 	snop  }
0x50: {  	[hbm4b:s7+s2] =	stream.indirect_vreg.scatter [tilespmem:s31], [sflag:$0x1], $0x80, v3, vm1, $0xb8;
	[tilespmem:$0x9200] =	vst v63  }
0x51: {  	_ =	swait.ge [sflag:s0], $0x9000  }
0x52: {  	[sflag:s0] =	ssyncset.done $0x0  }
0x53: {  	s1 =	rddreg [dreg:$0x4];
	[sflag:s0] =	ssyncadd.s32 $0xFFFF7000  }
0x54: {  	[tilespmem:s11], [sflag:$0x2] =	stream.linear.gather [hbm4b:s1+s2], $0x9000, $0x38;
	[tilespmem:$0x9200] =	vst v63  }
0x55: {  	_ =	swait.ge [sflag:s10], $0x9000  }
0x56: {  	[sflag:s10] =	ssyncset.done $0x0  }
0x57: {  	[sflag:s10] =	ssyncadd.s32 $0xFFFF7000  }
0x58: {  	v3 =	vld [tilespmem:$0x80];
	_ =	sdelay $0x4  }
0x59: {  	v58 =	vshrl.u32 v3, $0x3  }
0x5a: {  	v4 =	vmul.u32 $0x48, v58  }
0x5b: {  	v3 =	vand.u32 $0x7, v3  }
0x5c: {  	v3 =	vor.u32 v3, v4  }
0x5d: {  	v4 =	vperm.xlane v3, v0;
	_ =	sdelay $0x1  }
0x5e: {  	v4 =	vadd.s32 v1, v4;
	_ =	sdelay $0x4  }
0x5f: {  	[hbm4b:s3+s2] =	stream.indirect_vreg.scatter [tilespmem:s11], [sflag:$0x1], $0x80, v4, vm0, $0xb8;
	[tilespmem:$0x9200] =	vst v63  }
0x60: {  	_ = 	snop  }
0x61: {  	[hbm4b:s4+s2] =	stream.indirect_vreg.scatter [tilespmem:s12], [sflag:$0x1], $0x80, v4, vm0, $0xb8;
	[tilespmem:$0x9200] =	vst v63  }
0x62: {  	v3 =	vperm.xlane v3, v2  }
0x63: {  	[hbm4b:s5+s2] =	stream.indirect_vreg.scatter [tilespmem:s13], [sflag:$0x1], $0x80, v4, vm0, $0xb8;
	[tilespmem:$0x9200] =	vst v63  }
0x64: {  	v3 =	vadd.s32 v1, v3  }
0x65: {  	[hbm4b:s6+s2] =	stream.indirect_vreg.scatter [tilespmem:s14], [sflag:$0x1], $0x80, v4, vm0, $0xb8;
	[tilespmem:$0x9200] =	vst v63  }
0x66: {  	_ = 	snop  }
0x67: {  	[hbm4b:s7+s2] =	stream.indirect_vreg.scatter [tilespmem:s15], [sflag:$0x1], $0x80, v4, vm1, $0xb8;
	[tilespmem:$0x9200] =	vst v63  }
0x68: {  	_ = 	snop  }
0x69: {  	[hbm4b:s3+s2] =	stream.indirect_vreg.scatter [tilespmem:s16], [sflag:$0x1], $0x80, v3, vm0, $0xb8;
	[tilespmem:$0x9200] =	vst v63  }
0x6a: {  	_ = 	snop  }
0x6b: {  	[hbm4b:s4+s2] =	stream.indirect_vreg.scatter [tilespmem:s17], [sflag:$0x1], $0x80, v3, vm0, $0xb8;
	[tilespmem:$0x9200] =	vst v63  }
0x6c: {  	_ = 	snop  }
0x6d: {  	[hbm4b:s5+s2] =	stream.indirect_vreg.scatter [tilespmem:s18], [sflag:$0x1], $0x80, v3, vm0, $0xb8;
	[tilespmem:$0x9200] =	vst v63  }
0x6e: {  	_ = 	snop  }
0x6f: {  	[hbm4b:s6+s2] =	stream.indirect_vreg.scatter [tilespmem:s19], [sflag:$0x1], $0x80, v3, vm0, $0xb8;
	[tilespmem:$0x9200] =	vst v63  }
0x70: {  	_ = 	snop  }
0x71: {  	[hbm4b:s7+s2] =	stream.indirect_vreg.scatter [tilespmem:s20], [sflag:$0x1], $0x80, v3, vm1, $0xb8;
	[tilespmem:$0x9200] =	vst v63  }
0x72: {  	v3 =	vld [tilespmem:$0x90];
	_ =	sdelay $0x4  }
0x73: {  	v59 =	vshrl.u32 v3, $0x3  }
0x74: {  	v4 =	vmul.u32 $0x48, v59  }
0x75: {  	v3 =	vand.u32 $0x7, v3  }
0x76: {  	v3 =	vor.u32 v3, v4  }
0x77: {  	v4 =	vperm.xlane v3, v0;
	_ =	sdelay $0x1  }
0x78: {  	v4 =	vadd.s32 v1, v4;
	_ =	sdelay $0x4  }
0x79: {  	[hbm4b:s3+s2] =	stream.indirect_vreg.scatter [tilespmem:s21], [sflag:$0x1], $0x80, v4, vm0, $0xb8;
	[tilespmem:$0x9200] =	vst v63  }
0x7a: {  	_ = 	snop  }
0x7b: {  	[hbm4b:s4+s2] =	stream.indirect_vreg.scatter [tilespmem:s22], [sflag:$0x1], $0x80, v4, vm0, $0xb8;
	[tilespmem:$0x9200] =	vst v63  }
0x7c: {  	v3 =	vperm.xlane v3, v2  }
0x7d: {  	[hbm4b:s5+s2] =	stream.indirect_vreg.scatter [tilespmem:s23], [sflag:$0x1], $0x80, v4, vm0, $0xb8;
	[tilespmem:$0x9200] =	vst v63  }
0x7e: {  	v3 =	vadd.s32 v1, v3  }
0x7f: {  	[hbm4b:s6+s2] =	stream.indirect_vreg.scatter [tilespmem:s24], [sflag:$0x1], $0x80, v4, vm0, $0xb8;
	[tilespmem:$0x9200] =	vst v63  }
0x80: {  	_ = 	snop  }
0x81: {  	[hbm4b:s7+s2] =	stream.indirect_vreg.scatter [tilespmem:s25], [sflag:$0x1], $0x80, v4, vm1, $0xb8;
	[tilespmem:$0x9200] =	vst v63  }
0x82: {  	_ = 	snop  }
0x83: {  	[hbm4b:s3+s2] =	stream.indirect_vreg.scatter [tilespmem:s26], [sflag:$0x1], $0x80, v3, vm0, $0xb8;
	[tilespmem:$0x9200] =	vst v63  }
0x84: {  	_ = 	snop  }
0x85: {  	[hbm4b:s4+s2] =	stream.indirect_vreg.scatter [tilespmem:s28], [sflag:$0x1], $0x80, v3, vm0, $0xb8;
	[tilespmem:$0x9200] =	vst v63  }
0x86: {  	_ = 	snop  }
0x87: {  	[hbm4b:s5+s2] =	stream.indirect_vreg.scatter [tilespmem:s29], [sflag:$0x1], $0x80, v3, vm0, $0xb8;
	[tilespmem:$0x9200] =	vst v63  }
0x88: {  	_ = 	snop  }
0x89: {  	[hbm4b:s6+s2] =	stream.indirect_vreg.scatter [tilespmem:s30], [sflag:$0x1], $0x80, v3, vm0, $0xb8;
	[tilespmem:$0x9200] =	vst v63  }
0x8a: {  	_ = 	snop  }
0x8b: {  	[hbm4b:s7+s2] =	stream.indirect_vreg.scatter [tilespmem:s31], [sflag:$0x1], $0x80, v3, vm1, $0xb8;
	[tilespmem:$0x9200] =	vst v63  }
0x8c: {  	_ =	swait.ge [sflag:s0], $0x9000  }
0x8d: {  	[sflag:s0] =	ssyncset.done $0x0  }
0x8e: {  	s1 =	rddreg [dreg:$0x5];
	[sflag:s0] =	ssyncadd.s32 $0xFFFF7000  }
0x8f: {  	[tilespmem:s11], [sflag:$0x2] =	stream.linear.gather [hbm4b:s1+s2], $0x9000, $0x38;
	[tilespmem:$0x9200] =	vst v63  }
0x90: {  	_ =	swait.ge [sflag:s10], $0x9000  }
0x91: {  	[sflag:s10] =	ssyncset.done $0x0  }
0x92: {  	[sflag:s10] =	ssyncadd.s32 $0xFFFF7000  }
0x93: {  	v3 =	vld [tilespmem:$0x100];
	_ =	sdelay $0x4  }
0x94: {  	v60 =	vshrl.u32 v3, $0x3  }
0x95: {  	v4 =	vmul.u32 $0x48, v60  }
0x96: {  	v3 =	vand.u32 $0x7, v3  }
0x97: {  	v3 =	vor.u32 v3, v4  }
0x98: {  	v4 =	vperm.xlane v3, v0;
	_ =	sdelay $0x1  }
0x99: {  	v4 =	vadd.s32 v1, v4;
	_ =	sdelay $0x4  }
0x9a: {  	[hbm4b:s3+s2] =	stream.indirect_vreg.scatter [tilespmem:s11], [sflag:$0x1], $0x80, v4, vm0, $0xb8;
	[tilespmem:$0x9200] =	vst v63  }
0x9b: {  	_ = 	snop  }
0x9c: {  	[hbm4b:s4+s2] =	stream.indirect_vreg.scatter [tilespmem:s12], [sflag:$0x1], $0x80, v4, vm0, $0xb8;
	[tilespmem:$0x9200] =	vst v63  }
0x9d: {  	v3 =	vperm.xlane v3, v2  }
0x9e: {  	[hbm4b:s5+s2] =	stream.indirect_vreg.scatter [tilespmem:s13], [sflag:$0x1], $0x80, v4, vm0, $0xb8;
	[tilespmem:$0x9200] =	vst v63  }
0x9f: {  	v3 =	vadd.s32 v1, v3  }
0xa0: {  	[hbm4b:s6+s2] =	stream.indirect_vreg.scatter [tilespmem:s14], [sflag:$0x1], $0x80, v4, vm0, $0xb8;
	[tilespmem:$0x9200] =	vst v63  }
0xa1: {  	_ = 	snop  }
0xa2: {  	[hbm4b:s7+s2] =	stream.indirect_vreg.scatter [tilespmem:s15], [sflag:$0x1], $0x80, v4, vm1, $0xb8;
	[tilespmem:$0x9200] =	vst v63  }
0xa3: {  	_ = 	snop  }
0xa4: {  	[hbm4b:s3+s2] =	stream.indirect_vreg.scatter [tilespmem:s16], [sflag:$0x1], $0x80, v3, vm0, $0xb8;
	[tilespmem:$0x9200] =	vst v63  }
0xa5: {  	_ = 	snop  }
0xa6: {  	[hbm4b:s4+s2] =	stream.indirect_vreg.scatter [tilespmem:s17], [sflag:$0x1], $0x80, v3, vm0, $0xb8;
	[tilespmem:$0x9200] =	vst v63  }
0xa7: {  	_ = 	snop  }
0xa8: {  	[hbm4b:s5+s2] =	stream.indirect_vreg.scatter [tilespmem:s18], [sflag:$0x1], $0x80, v3, vm0, $0xb8;
	[tilespmem:$0x9200] =	vst v63  }
0xa9: {  	_ = 	snop  }
0xaa: {  	[hbm4b:s6+s2] =	stream.indirect_vreg.scatter [tilespmem:s19], [sflag:$0x1], $0x80, v3, vm0, $0xb8;
	[tilespmem:$0x9200] =	vst v63  }
0xab: {  	_ = 	snop  }
0xac: {  	[hbm4b:s7+s2] =	stream.indirect_vreg.scatter [tilespmem:s20], [sflag:$0x1], $0x80, v3, vm1, $0xb8;
	[tilespmem:$0x9200] =	vst v63  }
0xad: {  	v3 =	vld [tilespmem:$0x110];
	_ =	sdelay $0x4  }
0xae: {  	v61 =	vshrl.u32 v3, $0x3  }
0xaf: {  	v4 =	vmul.u32 $0x48, v61  }
0xb0: {  	v3 =	vand.u32 $0x7, v3  }
0xb1: {  	v3 =	vor.u32 v3, v4  }
0xb2: {  	v4 =	vperm.xlane v3, v0;
	_ =	sdelay $0x1  }
0xb3: {  	v4 =	vadd.s32 v1, v4;
	_ =	sdelay $0x4  }
0xb4: {  	[hbm4b:s3+s2] =	stream.indirect_vreg.scatter [tilespmem:s21], [sflag:$0x1], $0x80, v4, vm0, $0xb8;
	[tilespmem:$0x9200] =	vst v63  }
0xb5: {  	_ = 	snop  }
0xb6: {  	[hbm4b:s4+s2] =	stream.indirect_vreg.scatter [tilespmem:s22], [sflag:$0x1], $0x80, v4, vm0, $0xb8;
	[tilespmem:$0x9200] =	vst v63  }
0xb7: {  	v3 =	vperm.xlane v3, v2  }
0xb8: {  	[hbm4b:s5+s2] =	stream.indirect_vreg.scatter [tilespmem:s23], [sflag:$0x1], $0x80, v4, vm0, $0xb8;
	[tilespmem:$0x9200] =	vst v63  }
0xb9: {  	v3 =	vadd.s32 v1, v3  }
0xba: {  	[hbm4b:s6+s2] =	stream.indirect_vreg.scatter [tilespmem:s24], [sflag:$0x1], $0x80, v4, vm0, $0xb8;
	[tilespmem:$0x9200] =	vst v63  }
0xbb: {  	_ = 	snop  }
0xbc: {  	[hbm4b:s7+s2] =	stream.indirect_vreg.scatter [tilespmem:s25], [sflag:$0x1], $0x80, v4, vm1, $0xb8;
	[tilespmem:$0x9200] =	vst v63  }
0xbd: {  	_ = 	snop  }
0xbe: {  	[hbm4b:s3+s2] =	stream.indirect_vreg.scatter [tilespmem:s26], [sflag:$0x1], $0x80, v3, vm0, $0xb8;
	[tilespmem:$0x9200] =	vst v63  }
0xbf: {  	_ = 	snop  }
0xc0: {  	[hbm4b:s4+s2] =	stream.indirect_vreg.scatter [tilespmem:s28], [sflag:$0x1], $0x80, v3, vm0, $0xb8;
	[tilespmem:$0x9200] =	vst v63  }
0xc1: {  	_ = 	snop  }
0xc2: {  	[hbm4b:s5+s2] =	stream.indirect_vreg.scatter [tilespmem:s29], [sflag:$0x1], $0x80, v3, vm0, $0xb8;
	[tilespmem:$0x9200] =	vst v63  }
0xc3: {  	_ = 	snop  }
0xc4: {  	[hbm4b:s6+s2] =	stream.indirect_vreg.scatter [tilespmem:s30], [sflag:$0x1], $0x80, v3, vm0, $0xb8;
	[tilespmem:$0x9200] =	vst v63  }
0xc5: {  	_ = 	snop  }
0xc6: {  	[hbm4b:s7+s2] =	stream.indirect_vreg.scatter [tilespmem:s31], [sflag:$0x1], $0x80, v3, vm1, $0xb8;
	[tilespmem:$0x9200] =	vst v63  }
0xc7: {  	_ =	swait.ge [sflag:s0], $0x9000  }
0xc8: {  	[sflag:s0] =	ssyncset.done $0x0  }
0xc9: {  	[sflag:s0] =	ssyncadd.s32 $0xFFFF7000  }
0xca: {  	[tilespmem:s11], [sflag:$0x2] =	stream.linear.gather [hbm4b:s8+s2], $0x9000, $0x38;
	[tilespmem:$0x9200] =	vst v63  }
0xcb: {  	_ =	swait.ge [sflag:s10], $0x9000  }
0xcc: {  	[sflag:s10] =	ssyncset.done $0x0  }
0xcd: {  	[sflag:s10] =	ssyncadd.s32 $0xFFFF7000  }
0xce: {  	v3 =	vld [tilespmem:$0x180];
	_ =	sdelay $0x4  }
0xcf: {  	v62 =	vshrl.u32 v3, $0x3  }
0xd0: {  	v4 =	vmul.u32 $0x48, v62  }
0xd1: {  	v3 =	vand.u32 $0x7, v3  }
0xd2: {  	v3 =	vor.u32 v3, v4  }
0xd3: {  	v4 =	vperm.xlane v3, v0;
	_ =	sdelay $0x1  }
0xd4: {  	v4 =	vadd.s32 v1, v4;
	_ =	sdelay $0x4  }
0xd5: {  	[hbm4b:s3+s2] =	stream.indirect_vreg.scatter [tilespmem:s11], [sflag:$0x1], $0x80, v4, vm0, $0xb8;
	[tilespmem:$0x9200] =	vst v63  }
0xd6: {  	_ = 	snop  }
0xd7: {  	[hbm4b:s4+s2] =	stream.indirect_vreg.scatter [tilespmem:s12], [sflag:$0x1], $0x80, v4, vm0, $0xb8;
	[tilespmem:$0x9200] =	vst v63  }
0xd8: {  	v3 =	vperm.xlane v3, v2  }
0xd9: {  	[hbm4b:s5+s2] =	stream.indirect_vreg.scatter [tilespmem:s13], [sflag:$0x1], $0x80, v4, vm0, $0xb8;
	[tilespmem:$0x9200] =	vst v63  }
0xda: {  	v3 =	vadd.s32 v1, v3  }
0xdb: {  	[hbm4b:s6+s2] =	stream.indirect_vreg.scatter [tilespmem:s14], [sflag:$0x1], $0x80, v4, vm0, $0xb8;
	[tilespmem:$0x9200] =	vst v63  }
0xdc: {  	_ = 	snop  }
0xdd: {  	[hbm4b:s7+s2] =	stream.indirect_vreg.scatter [tilespmem:s15], [sflag:$0x1], $0x80, v4, vm1, $0xb8;
	[tilespmem:$0x9200] =	vst v63  }
0xde: {  	_ = 	snop  }
0xdf: {  	[hbm4b:s3+s2] =	stream.indirect_vreg.scatter [tilespmem:s16], [sflag:$0x1], $0x80, v3, vm0, $0xb8;
	[tilespmem:$0x9200] =	vst v63  }
0xe0: {  	_ = 	snop  }
0xe1: {  	[hbm4b:s4+s2] =	stream.indirect_vreg.scatter [tilespmem:s17], [sflag:$0x1], $0x80, v3, vm0, $0xb8;
	[tilespmem:$0x9200] =	vst v63  }
0xe2: {  	_ = 	snop  }
0xe3: {  	[hbm4b:s5+s2] =	stream.indirect_vreg.scatter [tilespmem:s18], [sflag:$0x1], $0x80, v3, vm0, $0xb8;
	[tilespmem:$0x9200] =	vst v63  }
0xe4: {  	_ = 	snop  }
0xe5: {  	[hbm4b:s6+s2] =	stream.indirect_vreg.scatter [tilespmem:s19], [sflag:$0x1], $0x80, v3, vm0, $0xb8;
	[tilespmem:$0x9200] =	vst v63  }
0xe6: {  	_ = 	snop  }
0xe7: {  	[hbm4b:s7+s2] =	stream.indirect_vreg.scatter [tilespmem:s20], [sflag:$0x1], $0x80, v3, vm1, $0xb8;
	[tilespmem:$0x9200] =	vst v63  }
0xe8: {  	v3 =	vld [tilespmem:$0x190];
	_ =	sdelay $0x4  }
0xe9: {  	v63 =	vshrl.u32 v3, $0x3  }
0xea: {  	v4 =	vmul.u32 $0x48, v63  }
0xeb: {  	v3 =	vand.u32 $0x7, v3  }
0xec: {  	v3 =	vor.u32 v3, v4  }
0xed: {  	v4 =	vperm.xlane v3, v0;
	_ =	sdelay $0x1  }
0xee: {  	v4 =	vadd.s32 v1, v4;
	_ =	sdelay $0x4  }
0xef: {  	[hbm4b:s3+s2] =	stream.indirect_vreg.scatter [tilespmem:s21], [sflag:$0x1], $0x80, v4, vm0, $0xb8;
	[tilespmem:$0x9200] =	vst v63  }
0xf0: {  	_ = 	snop  }
0xf1: {  	[hbm4b:s4+s2] =	stream.indirect_vreg.scatter [tilespmem:s22], [sflag:$0x1], $0x80, v4, vm0, $0xb8;
	[tilespmem:$0x9200] =	vst v63  }
0xf2: {  	v3 =	vperm.xlane v3, v2  }
0xf3: {  	[hbm4b:s5+s2] =	stream.indirect_vreg.scatter [tilespmem:s23], [sflag:$0x1], $0x80, v4, vm0, $0xb8;
	[tilespmem:$0x9200] =	vst v63  }
0xf4: {  	v3 =	vadd.s32 v1, v3  }
0xf5: {  	[hbm4b:s6+s2] =	stream.indirect_vreg.scatter [tilespmem:s24], [sflag:$0x1], $0x80, v4, vm0, $0xb8;
	[tilespmem:$0x9200] =	vst v63  }
0xf6: {  	_ = 	snop  }
0xf7: {  	[hbm4b:s7+s2] =	stream.indirect_vreg.scatter [tilespmem:s25], [sflag:$0x1], $0x80, v4, vm1, $0xb8;
	[tilespmem:$0x9200] =	vst v63  }
0xf8: {  	_ = 	snop  }
0xf9: {  	[hbm4b:s3+s2] =	stream.indirect_vreg.scatter [tilespmem:s26], [sflag:$0x1], $0x80, v3, vm0, $0xb8;
	[tilespmem:$0x9200] =	vst v63  }
0xfa: {  	_ = 	snop  }
0xfb: {  	[hbm4b:s4+s2] =	stream.indirect_vreg.scatter [tilespmem:s28], [sflag:$0x1], $0x80, v3, vm0, $0xb8;
	[tilespmem:$0x9200] =	vst v63  }
0xfc: {  	_ = 	snop  }
0xfd: {  	[hbm4b:s5+s2] =	stream.indirect_vreg.scatter [tilespmem:s29], [sflag:$0x1], $0x80, v3, vm0, $0xb8;
	[tilespmem:$0x9200] =	vst v63  }
0xfe: {  	p0 =	sne.s32 s9, $0x1  }
0xff: {  	[hbm4b:s6+s2] =	stream.indirect_vreg.scatter [tilespmem:s30], [sflag:$0x1], $0x80, v3, vm0, $0xb8;
	[tilespmem:$0x9200] =	vst v63  }
.Ltmp0:
0x100: {  	_ = 	snop;
	(pc) =	sbr.rel @p0 .LBB2_1-.Ltmp0, $4  }
0x101: {  	[hbm4b:s7+s2] =	stream.indirect_vreg.scatter [tilespmem:s31], [sflag:$0x1], $0x80, v3, vm1, $0xb8;
	[tilespmem:$0x9200] =	vst v63  }
0x102: {  	_ =	swait.ge [sflag:s0], $0x9000  }
0x103: {  	[sflag:s0] =	ssyncset.done $0x0  }
0x104: {  	s9 =	sadd.s32 $0xFFFFFFFF, s9;
	[sflag:s0] =	ssyncadd.s32 $0xFFFF7000  }
0x105: {  	_ =	sfence.sel $0x180000  }
0x106: {  	[bflag:$0x0] =	sbarrier.arrive $0xFFFF  }
0x107: {  	_ =	strace $0x9000004A  }
0x108: {  	s0 =	stileid.u32;
	[bflag:$0x2] =	sbarrier.arrive $0xFFFF  }
0x109: {  	p0 =	sne.s32 s0, $0x0;
	s0 =	rddreg [dreg:$0x1]  }
0x10a: {  	s0 =	sadd.s32 @!p0 $0x100000, s0  }
0x10b: {  	[sflag:s0] =	ssyncadd.tile.s32 @!p0 $0x1;
	_ =	shalt  }
.Lfunc_end2:
_tile_overlayer_lowered:
.L_overlay_start_2:
0x10c: {  	(tag) =	ssettag $0x2  }
0x10d: {  	s0 =	rddreg [dreg:$0x0];
	s2 =	stileid.u32  }
0x10e: {  	s1 =	rddreg [dreg:$0x1];
	p0 =	sne.s32 s2, $0x0  }
0x10f: {  	s3 =	rddreg [dreg:$0x2];
	[bflag:$0x3] =	sbarrier.arrive $0xFFFF;
	s2 =	simm.s32 @!p0 $0x1C02  }
0x110: {  	[timem:s3], [sflag:s2] =	dma.local @!p0 [hbm:s0], s1  }
0x111: {  	s0 =	simm.s32 @!p0 $0x2  }
0x112: {  	_ =	swait.ge @!p0 [sflag:s0], s1  }
0x113: {  	s1 =	ssub.s32 @!p0 $0x0, s1;
	[sflag:s0] =	ssyncset.done @!p0 $0x0  }
0x114: {  	[sflag:s0] =	ssyncadd.s32 @!p0 s1  }
0x115: {  	[bflag:$0x3] =	sbarrier.arrive $0xFFFF  }
0x116: {  	_ =	shalt  }

// kernel: kernel.9.cloned.1.call-start
scs
__scs_entry_jumppad:
0x0: {  	(pc) =	sbr.rel $0x88, $3  }
0x1: {  	(tag) =	ssettag $0x0;
	lr =	simm.s32 $0x1  }
0x2: {  	[smem:$0x3F9A] =	sst lr;
	_ =	strace $0xD0000000  }
0x3: {  	_ = 	snop  }
0x4: {  	_ = 	snop  }
0x5: {  	_ = 	snop  }
0x6: {  	_ = 	snop  }
0x7: {  	_ = 	snop  }
__scs_overlays_trampoline_lowered:
0x8: {  	[smem:$0x3FA9] =	sst s0  }
0x9: {  	[smem:$0x3FAA] =	sst s1  }
0xa: {  	[smem:$0x3FAB] =	sst s2  }
0xb: {  	[smem:$0x3FAC] =	sst s3  }
0xc: {  	[smem:$0x3FAD] =	sst s4  }
0xd: {  	[smem:$0x3FAE] =	sst s5  }
0xe: {  	[smem:$0x3FAF] =	sst s6  }
0xf: {  	[smem:$0x3FB0] =	sst s7  }
0x10: {  	[smem:$0x3FB1] =	sst s8  }
0x11: {  	[smem:$0x3FB2] =	sst s9;
	s0 =	simm.s32 @!p0 $0x0  }
0x12: {  	s1 =	sld [smem:$0x3F98];
	s0 =	simm.s32 @p0 $0x1  }
0x13: {  	[smem:$0x3FB3] =	sst s0;
	s0 =	simm.s32 @!p1 $0x0  }
0x14: {  	s2 =	sld [smem:$0x3F97];
	s0 =	simm.s32 @p1 $0x1  }
0x15: {  	[smem:$0x3FB4] =	sst s0;
	s0 =	simm.s32 @!p2 $0x0  }
0x16: {  	s3 =	sld [smem:$0x3FDB];
	s0 =	simm.s32 @p2 $0x1  }
0x17: {  	s4 =	simm.s32 $0x1BF5;
	[smem:$0x3FB6] =	sst s0  }
0x18: {  	s0 =	sld [smem:$0x3F99];
	_ =	swait.ge [sflag:s4], $0x0  }
0x19: {  	s7 =	sld [smem:$0x3F9A]  }
0x1a: {  	s8 =	sadd.s32 $0xFFFFE003, lr  }
0x1b: {  	s9 =	sadd.s32 $0xFFFFFEF7, lr;
	s5 =	simm.s32 $0xFFFFFFFF;
	p2 =	slt.u32 s8, $0xFFFFF086  }
0x1c: {  	p1 =	slt.u32 s9, $0xF7A;
	s5 =	simm.s32 @!p2 $0x0  }
0x1d: {  	s5 =	simm.s32 @p1 $0x1;
	p0 =	seq.s32 s7, s2  }
0x1e: {  	s7 =	smul.u32 @!p0 $0xF7A, s2;
	p2 =	seq.s32 @!p0 s5, $0x0  }
0x1f: {  	s9 =	smul.u32 $0xF7A, s1;
	s8 =	simm.s32 @!p0 $0x1BF5;
	p2 =	por !p2, p0  }
0x20: {  	[sflag:s8] =	ssyncset.s32 @!p0 $0xFFFFF086;
	s6 =	sadd.s32 @!p0 s3, s7;
	s7 =	simm.s32 @!p0 $0x108  }
0x21: {  	s3 =	sadd.s32 s3, s9;
	s6 =	sadd.s32 @!p0 $0x88, s6;
	s7 =	simm.s32 @p2 $0x1082  }
0x22: {  	[simem:s7], [sflag:s8] =	dma.local @!p0 [hbm:s6], $0xF7A  }
0x23: {  	s9 =	sor.u32 $0xD0000000, s2;
	s6 =	simm.s32 $0x108;
	_ =	swait.ge @!p0 [sflag:s8], $0x0  }
0x24: {  	s3 =	sadd.s32 $0x88, s3;
	s6 =	simm.s32 @!p1 $0x1082;
	[sflag:s4] =	ssyncset.s32 $0xFFFFF086  }
0x25: {  	[simem:s6], [sflag:s4] =	dma.local [hbm:s3], $0xF7A  }
0x26: {  	[smem:$0x3F9A] =	sst s1;
	(tag) =	ssettag s2;
	_ =	strace s9  }
0x27: {  	s1 =	sld [smem:$0x3FAA]  }
0x28: {  	s2 =	sld [smem:$0x3FAB]  }
0x29: {  	s4 =	sld [smem:$0x3FAD]  }
0x2a: {  	p0 =	seq.s32 s5, $0x0;
	s5 =	sld [smem:$0x3FAE]  }
0x2b: {  	s6 =	sld [smem:$0x3FAF]  }
0x2c: {  	s7 =	sld [smem:$0x3FB0]  }
0x2d: {  	s3 =	simm.s32 $0x108;
	s8 =	sld [smem:$0x3FB1]  }
0x2e: {  	s3 =	simm.s32 @!p0 $0x1082;
	s9 =	sld [smem:$0x3FB2]  }
0x2f: {  	lr =	sadd.s32 s0, s3;
	s0 =	sld [smem:$0x3FA9]  }
0x30: {  	s3 =	sld [smem:$0x3FAC]  }
0x31: {  	[smem:$0x3FB5] =	sst s10  }
0x32: {  	s10 =	sld [smem:$0x3FB3];
	_ =	sdelay $0x3  }
0x33: {  	p0 =	seq.s32 s10, $0x1;
	s10 =	sld [smem:$0x3FB5];
	_ =	sdelay $0x3  }
0x34: {  	[smem:$0x3FB5] =	sst s10  }
0x35: {  	s10 =	sld [smem:$0x3FB4];
	_ =	sdelay $0x3  }
0x36: {  	p1 =	seq.s32 s10, $0x1;
	s10 =	sld [smem:$0x3FB5];
	_ =	sdelay $0x3  }
0x37: {  	[smem:$0x3FB5] =	sst s10  }
0x38: {  	s10 =	sld [smem:$0x3FB6]  }
0x39: {  	_ = 	snop;
	(pc) =	sbr.ind lr, $3  }
0x3a: {  	_ = 	snop  }
0x3b: {  	_ = 	snop  }
0x3c: {  	p2 =	seq.s32 s10, $0x1;
	s10 =	sld [smem:$0x3FB5]  }
0x3d: {  	_ =	shalt  }
0x3e: {  	_ =	shalt  }
0x3f: {  	_ =	shalt  }
0x40: {  	_ =	shalt  }
0x41: {  	_ =	shalt  }
0x42: {  	_ =	shalt  }
0x43: {  	_ =	shalt  }
0x44: {  	_ =	shalt  }
0x45: {  	_ =	shalt  }
0x46: {  	_ =	shalt  }
0x47: {  	_ =	shalt  }
0x48: {  	_ =	shalt  }
0x49: {  	_ =	shalt  }
0x4a: {  	_ =	shalt  }
0x4b: {  	_ =	shalt  }
0x4c: {  	_ =	shalt  }
0x4d: {  	_ =	shalt  }
0x4e: {  	_ =	shalt  }
0x4f: {  	_ =	shalt  }
0x50: {  	_ =	shalt  }
0x51: {  	_ =	shalt  }
0x52: {  	_ =	shalt  }
0x53: {  	_ =	shalt  }
0x54: {  	_ =	shalt  }
0x55: {  	_ =	shalt  }
0x56: {  	_ =	shalt  }
0x57: {  	_ =	shalt  }
0x58: {  	_ =	shalt  }
0x59: {  	_ =	shalt  }
0x5a: {  	_ =	shalt  }
0x5b: {  	_ =	shalt  }
0x5c: {  	_ =	shalt  }
0x5d: {  	_ =	shalt  }
0x5e: {  	_ =	shalt  }
0x5f: {  	_ =	shalt  }
0x60: {  	_ =	shalt  }
0x61: {  	_ =	shalt  }
0x62: {  	_ =	shalt  }
0x63: {  	_ =	shalt  }
0x64: {  	_ =	shalt  }
0x65: {  	_ =	shalt  }
0x66: {  	_ =	shalt  }
0x67: {  	_ =	shalt  }
0x68: {  	_ =	shalt  }
0x69: {  	_ =	shalt  }
0x6a: {  	_ =	shalt  }
0x6b: {  	_ =	shalt  }
0x6c: {  	_ =	shalt  }
0x6d: {  	_ =	shalt  }
0x6e: {  	_ =	shalt  }
0x6f: {  	_ =	shalt  }
0x70: {  	_ =	shalt  }
0x71: {  	_ =	shalt  }
0x72: {  	_ =	shalt  }
0x73: {  	_ =	shalt  }
0x74: {  	_ =	shalt  }
0x75: {  	_ =	shalt  }
0x76: {  	_ =	shalt  }
0x77: {  	_ =	shalt  }
0x78: {  	_ =	shalt  }
0x79: {  	_ =	shalt  }
0x7a: {  	_ =	shalt  }
0x7b: {  	_ =	shalt  }
0x7c: {  	_ =	shalt  }
0x7d: {  	_ =	shalt  }
0x7e: {  	_ =	shalt  }
0x7f: {  	_ =	shalt  }
0x80: {  	_ =	shalt  }
0x81: {  	_ =	shalt  }
0x82: {  	_ =	shalt  }
0x83: {  	_ =	shalt  }
0x84: {  	_ =	shalt  }
0x85: {  	_ =	shalt  }
0x86: {  	_ =	shalt  }
0x87: {  	_ =	shalt  }
.Lfunc_end0:
.L_simem_size_0:
called_computation.3_lowered:
.L_overlay_start_0:
0x88: {  	s2 =	sld [smem:$0x3FD9]  }
0x89: {  	s3 =	sld [smem:$0x3FFE];
	_ =	sdelay $0x1  }
0x8a: {  	s1 =	srdreg.scid  }
0x8b: {  	s0 =	sand.u32 $0x1, s1  }
0x8c: {  	s14 =	sshll.u32 s0, $0xA;
	s2 =	sadd.s32 s3, s2  }
0x8d: {  	s2 =	sadd.s32 s2, s14  }
0x8e: {  	[smem:$0x3FC1] =	sst s2  }
0x8f: {  	_ = 	snop  }
0x90: {  	s2 =	sld [smem:$0x3FD0];
	_ =	sdelay $0x2  }
0x91: {  	s15 =	simm.s32 $0xA;
	s4 =	simm.s32 $0x10  }
0x92: {  	[smem:s4], [sflag:s15] =	dma.local [hbm:s2], $0x1  }
0x93: {  	_ =	swait.eq [sflag:s15], $0x1  }
0x94: {  	[sflag:s15] =	ssyncset.done $0x0  }
0x95: {  	[sflag:s15] =	ssyncadd.s32 $0xFFFFFFFF  }
0x96: {  	s16 =	sld [smem:$0x10];
	(tm) =	ssettm $0x1  }
0x97: {  	s17 =	sld [smem:$0x3FFB];
	_ =	sdelay $0x3  }
0x98: {  	_ =	strace s17  }
0x99: {  	s3 =	sld [smem:$0x3FFC];
	_ =	sdelay $0x3  }
0x9a: {  	_ =	strace s3  }
0x9b: {  	s3 =	sld [smem:$0x3FFD];
	_ =	sdelay $0x3  }
0x9c: {  	_ =	strace s3  }
0x9d: {  	_ =	strace $0x8FFFFFFF  }
0x9e: {  	s18 =	sld [smem:$0x3FDB];
	_ =	sdelay $0x1  }
0x9f: {  	s19 =	simm.s32 $_scs_section_size  }
0xa0: {  	s5 =	simm.s32 $_size__tile_overlayer_lowered;
	s6 =	simm.s32 $_tile_overlayer_lowered  }
0xa1: {  	s22 =	simm.s32 $0x1BFF;
	s21 =	sshll.u32 s6, $0x1;
	s3 =	sadd.s32 s19, s18  }
0xa2: {  	s7 =	simm.s32 $0x0;
	s20 =	sshll.u32 s5, $0x1;
	s5 =	sadd.s32 s21, s3  }
0xa3: {  	[timem:s7], [sflag:s22] =	dma.local [hbm:s5], s20  }
0xa4: {  	_ =	swait.ge [sflag:s22], s20  }
0xa5: {  	s4 =	ssub.s32 $0x0, s20;
	[sflag:s22] =	ssyncset.done $0x0  }
0xa6: {  	[sflag:s22] =	ssyncadd.s32 s4;
	_ =	sdelay $0x1  }
0xa7: {  	s23 =	simm.s32 $0x1B8B  }
0xa8: {  	_ =	swait.ge [sflag:s23], $0x1  }
0xa9: {  	[sflag:s23] =	ssyncset.done $0x0  }
0xaa: {  	s25 =	simm.s32 $0x1B8E;
	s24 =	sld [smem:$0x3FFE];
	[sflag:s23] =	ssyncadd.s32 $0xFFFFFFFF  }
0xab: {  	s26 =	simm.s32 $execute0_lowered;
	[smem:$0x3FD2] =	sst s25  }
0xac: {  	s5 =	sshll.u32 s26, $0x1;
	_ =	strace $0x8000004F;
	[dreg:$0x1] =	wrdreg $0xFFFFFFFF  }
0xad: {  	s28 =	simm.s32 $_size_execute0_lowered;
	s3 =	sadd.s32 s3, s5;
	[dreg:$0x0] =	wrdreg $0x0  }
0xae: {  	s5 =	sshll.u32 s28, $0x1;
	[dreg:$0x2] =	wrdreg s3  }
0xaf: {  	[dreg:$0x3] =	wrdreg s5  }
0xb0: {  	[dreg:$0x4] =	wrdreg $0xC0  }
0xb1: {  	_ =	task [dreg:s7], $0x5FFFF  }
0xb2: {  	[dreg:$0x1] =	wrdreg $0xFFFFFFFF  }
0xb3: {  	[dreg:$0x0] =	wrdreg $0x60  }
0xb4: {  	[dreg:$0x2] =	wrdreg s24  }
0xb5: {  	[dreg:$0x3] =	wrdreg s16  }
0xb6: {  	[dreg:$0x4] =	wrdreg $0x9  }
0xb7: {  	_ =	task.clear_ibuf [dreg:s7], $0x5FFFF;
	_ =	strace $0x9000004F  }
0xb8: {  	s29 =	simm.s32 $0x9;
	_ =	strace $0x80000051  }
0xb9: {  	_ =	swait.ge [sflag:s29], $0x1  }
0xba: {  	[sflag:s29] =	ssyncadd.s32 $0xFFFFFFFF  }
0xbb: {  	_ =	strace $0x90000051  }
0xbc: {  	_ =	sfence  }
0xbd: {  	s30 =	sld [smem:$0x0];
	_ =	sdelay $0x2  }
0xbe: {  	s31 =	sshll.u32 s1, $0xD;
	s1 =	sshrl.u32 s1, $0x2  }
0xbf: {  	s3 =	sand.u32 $0x4000, s31;
	s1 =	sadd.s32 s1, s30  }
0xc0: {  	s0 =	sor.u32 s3, s0;
	s1 =	sshll.u32 s1, $0x11  }
0xc1: {  	s0 =	sor.u32 s1, s0  }
0xc2: {  	s0 =	sadd.s32 $0x8F2B, s0  }
0xc3: {  	[sflag:s0] =	ssyncadd.remote.s32 $0x1  }
0xc4: {  	_ =	sfence.sel $0xFFFF  }
0xc5: {  	[dreg:$0x0] =	wrdreg $0xFFFFFFFF;
	(pc) =	sbr.abs _section_cstart, $3  }
0xc6: {  	[dreg:$0x1] =	wrdreg $0xFFFFFFFF  }
0xc7: {  	_ =	task.clear_ibuf [dreg:s7], $0x2FFFF;
	_ =	strace $0x9FFFFFFF  }
0xc8: {  	(tm) =	ssettm $0x7FFFFFFF  }
0xc9: {  	_ =	shalt  }
tec
execute0_lowered:
.L_overlay_start_1:
0x0: {  	(tag) =	ssettag $0x1  }
0x1: {  	s0 =	rddreg [dreg:$0x0]  }
0x2: {  	s1 =	srdreg.scid;
	s2 =	stileid.u32  }
0x3: {  	s7 =	rddreg [dreg:$0x1];
	s13 =	simm.s32 $0x2;
	s14 =	simm.s32 $0x200  }
0x4: {  	s28 =	simm.s32 $0x1;
	s30 =	simm.s32 $0xA00;
	s31 =	simm.s32 $0x1200  }
0x5: {  	s15 =	simm.s32 $0x3200;
	s16 =	simm.s32 $0x3A00;
	s17 =	simm.s32 $0x4200  }
0x6: {  	s18 =	simm.s32 $0x4A00;
	s19 =	simm.s32 $0x5200;
	s20 =	simm.s32 $0x5A00  }
0x7: {  	s21 =	simm.s32 $0x6200;
	s22 =	simm.s32 $0x6A00;
	s23 =	simm.s32 $0x7200  }
0x8: {  	s24 =	simm.s32 $0x7A00;
	s25 =	simm.s32 $0x8200;
	s1 =	sand.u32 $0x1, s1  }
0x9: {  	s3 =	sshll.u32 s2, $0x1;
	s2 =	simm.s32 $0x0;
	s9 =	sadd.s32 $0x1500, s0  }
0xa: {  	s10 =	sadd.s32 $0x1600, s0;
	s11 =	sadd.s32 $0x1700, s0;
	s5 =	sor.u32 s1, s3  }
0xb: {  	[smem:$0x7FF] =	sst s2;
	s1 =	ssub.s32 $0x2, s1;
	s3 =	sshll.u32 s5, $0x6  }
0xc: {  	_ =	strace $0x80000050;
	s6 =	sshrl.u32 s1, $0x1;
	s8 =	sshll.u32 s5, $0xF  }
0xd: {  	s5 =	sadd.s32 $0x1200, s0;
	s4 =	sadd.s32 s3, s0;
	s3 =	sadd.s32 $0x1000, s0  }
0xe: {  	s1 =	ssub.s32 s1, s6;
	s6 =	sadd.s32 $0x1300, s0;
	s12 =	sadd.s32 s7, s8  }
0xf: {  	s8 =	sadd.s32 $0x1400, s0;
	s4 =	sadd.s32 $0x241000, s4;
	[dreg:$0x7] =	wrdreg s12  }
0x10: {  	s7 =	sadd.s32 $0x2000, s12;
	s26 =	sadd.s32 $0x4000, s12;
	[dreg:$0x3] =	wrdreg s4  }
0x11: {  	v2 =	vlaneseq.u32;
	s29 =	sadd.s32 $0x6000, s12;
	s12 =	smax.u32 s1, $0x1;
	[dreg:$0x4] =	wrdreg s7  }
0x12: {  	vm0 =	vmmov $0xffff;
	v1 =	vshrl.u32 v2, $0x3;
	s1 =	simm.s32 $0x1A00;
	s4 =	sadd.s32 $0x1100, s0;
	[dreg:$0x5] =	wrdreg s26  }
0x13: {  	v0 =	vand.u32 $0x7, v2;
	v2 =	vor.u32 $0x8, v2;
	v1 =	vmul.u32 $0x8, v1;
	[dreg:$0x6] =	wrdreg s29;
	s7 =	simm.s32 $0x2A00;
	s26 =	simm.s32 $0x8A00  }
.LBB2_1:
0x14: {  	s29 =	rddreg [dreg:$0x3]  }
0x15: {  	[tilespmem:s2], [sflag:$0x2] =	stream.linear.gather [hbm4b:s29+s2], $0x200, $0x38;
	[tilespmem:$0x10200] =	vst v63  }
0x16: {  	_ =	swait.ge [sflag:s13], $0x200  }
0x17: {  	[sflag:s13] =	ssyncset.done $0x0  }
0x18: {  	[sflag:s13] =	ssyncadd.s32 $0xFFFFFE00  }
0x19: {  	v3 =	vld [tilespmem:$0x0];
	_ =	sdelay $0x4  }
0x1a: {  	v4 =	vshll.u32 v3, $0x4  }
0x1b: {  	v3 =	vand.u32 $0x7, v3;
	v4 =	vand.u32 $0xFFFFFF80, v4  }
0x1c: {  	v3 =	vor.u32 v3, v4  }
0x1d: {  	v4 =	vperm.xlane v3, v0;
	_ =	sdelay $0x1  }
0x1e: {  	v4 =	vadd.s32 v1, v4;
	_ =	sdelay $0x4  }
0x1f: {  	[tilespmem:s14], [sflag:$0x1] =	stream.indirect_vreg.gather [hbm4b:s3+s2], $0x80, v4, vm0, $0xb8;
	[tilespmem:$0x10200] =	vst v63  }
0x20: {  	_ = 	snop  }
0x21: {  	[tilespmem:s30], [sflag:$0x1] =	stream.indirect_vreg.gather [hbm4b:s4+s2], $0x80, v4, vm0, $0xb8;
	[tilespmem:$0x10200] =	vst v63  }
0x22: {  	_ = 	snop  }
0x23: {  	[tilespmem:s31], [sflag:$0x1] =	stream.indirect_vreg.gather [hbm4b:s5+s2], $0x80, v4, vm0, $0xb8;
	[tilespmem:$0x10200] =	vst v63  }
0x24: {  	_ = 	snop  }
0x25: {  	[tilespmem:s1], [sflag:$0x1] =	stream.indirect_vreg.gather [hbm4b:s6+s2], $0x80, v4, vm0, $0xb8;
	[tilespmem:$0x10200] =	vst v63  }
0x26: {  	s0 =	simm.s32 $0x2200  }
0x27: {  	[tilespmem:s0], [sflag:$0x1] =	stream.indirect_vreg.gather [hbm4b:s8+s2], $0x80, v4, vm0, $0xb8;
	[tilespmem:$0x10200] =	vst v63  }
0x28: {  	v3 =	vperm.xlane v3, v2  }
0x29: {  	[tilespmem:s7], [sflag:$0x1] =	stream.indirect_vreg.gather [hbm4b:s9+s2], $0x80, v4, vm0, $0xb8;
	[tilespmem:$0x10200] =	vst v63  }
0x2a: {  	v3 =	vadd.s32 v1, v3  }
0x2b: {  	[tilespmem:s15], [sflag:$0x1] =	stream.indirect_vreg.gather [hbm4b:s10+s2], $0x80, v4, vm0, $0xb8;
	[tilespmem:$0x10200] =	vst v63  }
0x2c: {  	_ = 	snop  }
0x2d: {  	[tilespmem:s16], [sflag:$0x1] =	stream.indirect_vreg.gather [hbm4b:s11+s2], $0x80, v4, vm0, $0xb8;
	[tilespmem:$0x10200] =	vst v63  }
0x2e: {  	_ = 	snop  }
0x2f: {  	[tilespmem:s17], [sflag:$0x1] =	stream.indirect_vreg.gather [hbm4b:s3+s2], $0x80, v3, vm0, $0xb8;
	[tilespmem:$0x10200] =	vst v63  }
0x30: {  	_ = 	snop  }
0x31: {  	[tilespmem:s18], [sflag:$0x1] =	stream.indirect_vreg.gather [hbm4b:s4+s2], $0x80, v3, vm0, $0xb8;
	[tilespmem:$0x10200] =	vst v63  }
0x32: {  	_ = 	snop  }
0x33: {  	[tilespmem:s19], [sflag:$0x1] =	stream.indirect_vreg.gather [hbm4b:s5+s2], $0x80, v3, vm0, $0xb8;
	[tilespmem:$0x10200] =	vst v63  }
0x34: {  	_ = 	snop  }
0x35: {  	[tilespmem:s20], [sflag:$0x1] =	stream.indirect_vreg.gather [hbm4b:s6+s2], $0x80, v3, vm0, $0xb8;
	[tilespmem:$0x10200] =	vst v63  }
0x36: {  	_ = 	snop  }
0x37: {  	[tilespmem:s21], [sflag:$0x1] =	stream.indirect_vreg.gather [hbm4b:s8+s2], $0x80, v3, vm0, $0xb8;
	[tilespmem:$0x10200] =	vst v63  }
0x38: {  	_ = 	snop  }
0x39: {  	[tilespmem:s22], [sflag:$0x1] =	stream.indirect_vreg.gather [hbm4b:s9+s2], $0x80, v3, vm0, $0xb8;
	[tilespmem:$0x10200] =	vst v63  }
0x3a: {  	_ = 	snop  }
0x3b: {  	[tilespmem:s23], [sflag:$0x1] =	stream.indirect_vreg.gather [hbm4b:s10+s2], $0x80, v3, vm0, $0xb8;
	[tilespmem:$0x10200] =	vst v63  }
0x3c: {  	_ = 	snop  }
0x3d: {  	[tilespmem:s24], [sflag:$0x1] =	stream.indirect_vreg.gather [hbm4b:s11+s2], $0x80, v3, vm0, $0xb8;
	[tilespmem:$0x10200] =	vst v63  }
0x3e: {  	v3 =	vld [tilespmem:$0x10];
	_ =	sdelay $0x4  }
0x3f: {  	v57 =	vshll.u32 v3, $0x4  }
0x40: {  	v3 =	vand.u32 $0x7, v3;
	v4 =	vand.u32 $0xFFFFFF80, v57  }
0x41: {  	v3 =	vor.u32 v3, v4  }
0x42: {  	v4 =	vperm.xlane v3, v0;
	_ =	sdelay $0x1  }
0x43: {  	v4 =	vadd.s32 v1, v4;
	_ =	sdelay $0x4  }
0x44: {  	[tilespmem:s25], [sflag:$0x1] =	stream.indirect_vreg.gather [hbm4b:s3+s2], $0x80, v4, vm0, $0xb8;
	[tilespmem:$0x10200] =	vst v63  }
0x45: {  	_ = 	snop  }
0x46: {  	[tilespmem:s26], [sflag:$0x1] =	stream.indirect_vreg.gather [hbm4b:s4+s2], $0x80, v4, vm0, $0xb8;
	[tilespmem:$0x10200] =	vst v63  }
0x47: {  	s29 =	simm.s32 $0x9200  }
0x48: {  	[tilespmem:s29], [sflag:$0x1] =	stream.indirect_vreg.gather [hbm4b:s5+s2], $0x80, v4, vm0, $0xb8;
	[tilespmem:$0x10200] =	vst v63  }
0x49: {  	s29 =	simm.s32 $0x9A00  }
0x4a: {  	[tilespmem:s29], [sflag:$0x1] =	stream.indirect_vreg.gather [hbm4b:s6+s2], $0x80, v4, vm0, $0xb8;
	[tilespmem:$0x10200] =	vst v63  }
0x4b: {  	s29 =	simm.s32 $0xA200  }
0x4c: {  	[tilespmem:s29], [sflag:$0x1] =	stream.indirect_vreg.gather [hbm4b:s8+s2], $0x80, v4, vm0, $0xb8;
	[tilespmem:$0x10200] =	vst v63  }
0x4d: {  	v3 =	vperm.xlane v3, v2;
	s29 =	simm.s32 $0xAA00  }
0x4e: {  	[tilespmem:s29], [sflag:$0x1] =	stream.indirect_vreg.gather [hbm4b:s9+s2], $0x80, v4, vm0, $0xb8;
	[tilespmem:$0x10200] =	vst v63  }
0x4f: {  	v3 =	vadd.s32 v1, v3;
	s29 =	simm.s32 $0xB200  }
0x50: {  	[tilespmem:s29], [sflag:$0x1] =	stream.indirect_vreg.gather [hbm4b:s10+s2], $0x80, v4, vm0, $0xb8;
	[tilespmem:$0x10200] =	vst v63  }
0x51: {  	s29 =	simm.s32 $0xBA00  }
0x52: {  	[tilespmem:s29], [sflag:$0x1] =	stream.indirect_vreg.gather [hbm4b:s11+s2], $0x80, v4, vm0, $0xb8;
	[tilespmem:$0x10200] =	vst v63  }
0x53: {  	s29 =	simm.s32 $0xC200  }
0x54: {  	[tilespmem:s29], [sflag:$0x1] =	stream.indirect_vreg.gather [hbm4b:s3+s2], $0x80, v3, vm0, $0xb8;
	[tilespmem:$0x10200] =	vst v63  }
0x55: {  	s29 =	simm.s32 $0xCA00  }
0x56: {  	[tilespmem:s29], [sflag:$0x1] =	stream.indirect_vreg.gather [hbm4b:s4+s2], $0x80, v3, vm0, $0xb8;
	[tilespmem:$0x10200] =	vst v63  }
0x57: {  	s29 =	simm.s32 $0xD200  }
0x58: {  	[tilespmem:s29], [sflag:$0x1] =	stream.indirect_vreg.gather [hbm4b:s5+s2], $0x80, v3, vm0, $0xb8;
	[tilespmem:$0x10200] =	vst v63  }
0x59: {  	s29 =	simm.s32 $0xDA00  }
0x5a: {  	[tilespmem:s29], [sflag:$0x1] =	stream.indirect_vreg.gather [hbm4b:s6+s2], $0x80, v3, vm0, $0xb8;
	[tilespmem:$0x10200] =	vst v63  }
0x5b: {  	s29 =	simm.s32 $0xE200  }
0x5c: {  	[tilespmem:s29], [sflag:$0x1] =	stream.indirect_vreg.gather [hbm4b:s8+s2], $0x80, v3, vm0, $0xb8;
	[tilespmem:$0x10200] =	vst v63  }
0x5d: {  	s29 =	simm.s32 $0xEA00  }
0x5e: {  	[tilespmem:s29], [sflag:$0x1] =	stream.indirect_vreg.gather [hbm4b:s9+s2], $0x80, v3, vm0, $0xb8;
	[tilespmem:$0x10200] =	vst v63  }
0x5f: {  	s29 =	simm.s32 $0xF200  }
0x60: {  	[tilespmem:s29], [sflag:$0x1] =	stream.indirect_vreg.gather [hbm4b:s10+s2], $0x80, v3, vm0, $0xb8;
	[tilespmem:$0x10200] =	vst v63  }
0x61: {  	s29 =	simm.s32 $0xFA00  }
0x62: {  	[tilespmem:s29], [sflag:$0x1] =	stream.indirect_vreg.gather [hbm4b:s11+s2], $0x80, v3, vm0, $0xb8;
	[tilespmem:$0x10200] =	vst v63  }
0x63: {  	_ =	swait.ge [sflag:s28], $0x10000  }
0x64: {  	[sflag:s28] =	ssyncset.done $0x0  }
0x65: {  	s29 =	rddreg [dreg:$0x7];
	[sflag:s28] =	ssyncadd.s32 $0xFFFF0000  }
0x66: {  	[hbm4b:s29+s2] =	stream.linear.scatter [tilespmem:s14], [sflag:$0x2], $0x10000, $0x38;
	[tilespmem:$0x10200] =	vst v63  }
0x67: {  	_ =	swait.ge [sflag:s13], $0x10000  }
0x68: {  	[sflag:s13] =	ssyncset.done $0x0  }
0x69: {  	[sflag:s13] =	ssyncadd.s32 $0xFFFF0000  }
0x6a: {  	v3 =	vld [tilespmem:$0x80];
	_ =	sdelay $0x4  }
0x6b: {  	v58 =	vshll.u32 v3, $0x4  }
0x6c: {  	v3 =	vand.u32 $0x7, v3;
	v4 =	vand.u32 $0xFFFFFF80, v58  }
0x6d: {  	v3 =	vor.u32 v3, v4  }
0x6e: {  	v4 =	vperm.xlane v3, v0;
	_ =	sdelay $0x1  }
0x6f: {  	v4 =	vadd.s32 v1, v4;
	_ =	sdelay $0x4  }
0x70: {  	[tilespmem:s14], [sflag:$0x1] =	stream.indirect_vreg.gather [hbm4b:s3+s2], $0x80, v4, vm0, $0xb8;
	[tilespmem:$0x10200] =	vst v63  }
0x71: {  	_ = 	snop  }
0x72: {  	[tilespmem:s30], [sflag:$0x1] =	stream.indirect_vreg.gather [hbm4b:s4+s2], $0x80, v4, vm0, $0xb8;
	[tilespmem:$0x10200] =	vst v63  }
0x73: {  	_ = 	snop  }
0x74: {  	[tilespmem:s31], [sflag:$0x1] =	stream.indirect_vreg.gather [hbm4b:s5+s2], $0x80, v4, vm0, $0xb8;
	[tilespmem:$0x10200] =	vst v63  }
0x75: {  	_ = 	snop  }
0x76: {  	[tilespmem:s1], [sflag:$0x1] =	stream.indirect_vreg.gather [hbm4b:s6+s2], $0x80, v4, vm0, $0xb8;
	[tilespmem:$0x10200] =	vst v63  }
0x77: {  	_ = 	snop  }
0x78: {  	[tilespmem:s0], [sflag:$0x1] =	stream.indirect_vreg.gather [hbm4b:s8+s2], $0x80, v4, vm0, $0xb8;
	[tilespmem:$0x10200] =	vst v63  }
0x79: {  	v3 =	vperm.xlane v3, v2  }
0x7a: {  	[tilespmem:s7], [sflag:$0x1] =	stream.indirect_vreg.gather [hbm4b:s9+s2], $0x80, v4, vm0, $0xb8;
	[tilespmem:$0x10200] =	vst v63  }
0x7b: {  	v3 =	vadd.s32 v1, v3  }
0x7c: {  	[tilespmem:s15], [sflag:$0x1] =	stream.indirect_vreg.gather [hbm4b:s10+s2], $0x80, v4, vm0, $0xb8;
	[tilespmem:$0x10200] =	vst v63  }
0x7d: {  	_ = 	snop  }
0x7e: {  	[tilespmem:s16], [sflag:$0x1] =	stream.indirect_vreg.gather [hbm4b:s11+s2], $0x80, v4, vm0, $0xb8;
	[tilespmem:$0x10200] =	vst v63  }
0x7f: {  	_ = 	snop  }
0x80: {  	[tilespmem:s17], [sflag:$0x1] =	stream.indirect_vreg.gather [hbm4b:s3+s2], $0x80, v3, vm0, $0xb8;
	[tilespmem:$0x10200] =	vst v63  }
0x81: {  	_ = 	snop  }
0x82: {  	[tilespmem:s18], [sflag:$0x1] =	stream.indirect_vreg.gather [hbm4b:s4+s2], $0x80, v3, vm0, $0xb8;
	[tilespmem:$0x10200] =	vst v63  }
0x83: {  	_ = 	snop  }
0x84: {  	[tilespmem:s19], [sflag:$0x1] =	stream.indirect_vreg.gather [hbm4b:s5+s2], $0x80, v3, vm0, $0xb8;
	[tilespmem:$0x10200] =	vst v63  }
0x85: {  	_ = 	snop  }
0x86: {  	[tilespmem:s20], [sflag:$0x1] =	stream.indirect_vreg.gather [hbm4b:s6+s2], $0x80, v3, vm0, $0xb8;
	[tilespmem:$0x10200] =	vst v63  }
0x87: {  	_ = 	snop  }
0x88: {  	[tilespmem:s21], [sflag:$0x1] =	stream.indirect_vreg.gather [hbm4b:s8+s2], $0x80, v3, vm0, $0xb8;
	[tilespmem:$0x10200] =	vst v63  }
0x89: {  	_ = 	snop  }
0x8a: {  	[tilespmem:s22], [sflag:$0x1] =	stream.indirect_vreg.gather [hbm4b:s9+s2], $0x80, v3, vm0, $0xb8;
	[tilespmem:$0x10200] =	vst v63  }
0x8b: {  	_ = 	snop  }
0x8c: {  	[tilespmem:s23], [sflag:$0x1] =	stream.indirect_vreg.gather [hbm4b:s10+s2], $0x80, v3, vm0, $0xb8;
	[tilespmem:$0x10200] =	vst v63  }
0x8d: {  	_ = 	snop  }
0x8e: {  	[tilespmem:s24], [sflag:$0x1] =	stream.indirect_vreg.gather [hbm4b:s11+s2], $0x80, v3, vm0, $0xb8;
	[tilespmem:$0x10200] =	vst v63  }
0x8f: {  	v3 =	vld [tilespmem:$0x90];
	_ =	sdelay $0x4  }
0x90: {  	v59 =	vshll.u32 v3, $0x4  }
0x91: {  	v3 =	vand.u32 $0x7, v3;
	v4 =	vand.u32 $0xFFFFFF80, v59  }
0x92: {  	v3 =	vor.u32 v3, v4  }
0x93: {  	v4 =	vperm.xlane v3, v0;
	_ =	sdelay $0x1  }
0x94: {  	v4 =	vadd.s32 v1, v4;
	_ =	sdelay $0x4  }
0x95: {  	[tilespmem:s25], [sflag:$0x1] =	stream.indirect_vreg.gather [hbm4b:s3+s2], $0x80, v4, vm0, $0xb8;
	[tilespmem:$0x10200] =	vst v63  }
0x96: {  	_ = 	snop  }
0x97: {  	[tilespmem:s26], [sflag:$0x1] =	stream.indirect_vreg.gather [hbm4b:s4+s2], $0x80, v4, vm0, $0xb8;
	[tilespmem:$0x10200] =	vst v63  }
0x98: {  	s29 =	simm.s32 $0x9200  }
0x99: {  	[tilespmem:s29], [sflag:$0x1] =	stream.indirect_vreg.gather [hbm4b:s5+s2], $0x80, v4, vm0, $0xb8;
	[tilespmem:$0x10200] =	vst v63  }
0x9a: {  	s29 =	simm.s32 $0x9A00  }
0x9b: {  	[tilespmem:s29], [sflag:$0x1] =	stream.indirect_vreg.gather [hbm4b:s6+s2], $0x80, v4, vm0, $0xb8;
	[tilespmem:$0x10200] =	vst v63  }
0x9c: {  	s29 =	simm.s32 $0xA200  }
0x9d: {  	[tilespmem:s29], [sflag:$0x1] =	stream.indirect_vreg.gather [hbm4b:s8+s2], $0x80, v4, vm0, $0xb8;
	[tilespmem:$0x10200] =	vst v63  }
0x9e: {  	v3 =	vperm.xlane v3, v2;
	s29 =	simm.s32 $0xAA00  }
0x9f: {  	[tilespmem:s29], [sflag:$0x1] =	stream.indirect_vreg.gather [hbm4b:s9+s2], $0x80, v4, vm0, $0xb8;
	[tilespmem:$0x10200] =	vst v63  }
0xa0: {  	v3 =	vadd.s32 v1, v3;
	s29 =	simm.s32 $0xB200  }
0xa1: {  	[tilespmem:s29], [sflag:$0x1] =	stream.indirect_vreg.gather [hbm4b:s10+s2], $0x80, v4, vm0, $0xb8;
	[tilespmem:$0x10200] =	vst v63  }
0xa2: {  	s29 =	simm.s32 $0xBA00  }
0xa3: {  	[tilespmem:s29], [sflag:$0x1] =	stream.indirect_vreg.gather [hbm4b:s11+s2], $0x80, v4, vm0, $0xb8;
	[tilespmem:$0x10200] =	vst v63  }
0xa4: {  	s29 =	simm.s32 $0xC200  }
0xa5: {  	[tilespmem:s29], [sflag:$0x1] =	stream.indirect_vreg.gather [hbm4b:s3+s2], $0x80, v3, vm0, $0xb8;
	[tilespmem:$0x10200] =	vst v63  }
0xa6: {  	s29 =	simm.s32 $0xCA00  }
0xa7: {  	[tilespmem:s29], [sflag:$0x1] =	stream.indirect_vreg.gather [hbm4b:s4+s2], $0x80, v3, vm0, $0xb8;
	[tilespmem:$0x10200] =	vst v63  }
0xa8: {  	s29 =	simm.s32 $0xD200  }
0xa9: {  	[tilespmem:s29], [sflag:$0x1] =	stream.indirect_vreg.gather [hbm4b:s5+s2], $0x80, v3, vm0, $0xb8;
	[tilespmem:$0x10200] =	vst v63  }
0xaa: {  	s29 =	simm.s32 $0xDA00  }
0xab: {  	[tilespmem:s29], [sflag:$0x1] =	stream.indirect_vreg.gather [hbm4b:s6+s2], $0x80, v3, vm0, $0xb8;
	[tilespmem:$0x10200] =	vst v63  }
0xac: {  	s29 =	simm.s32 $0xE200  }
0xad: {  	[tilespmem:s29], [sflag:$0x1] =	stream.indirect_vreg.gather [hbm4b:s8+s2], $0x80, v3, vm0, $0xb8;
	[tilespmem:$0x10200] =	vst v63  }
0xae: {  	s29 =	simm.s32 $0xEA00  }
0xaf: {  	[tilespmem:s29], [sflag:$0x1] =	stream.indirect_vreg.gather [hbm4b:s9+s2], $0x80, v3, vm0, $0xb8;
	[tilespmem:$0x10200] =	vst v63  }
0xb0: {  	s29 =	simm.s32 $0xF200  }
0xb1: {  	[tilespmem:s29], [sflag:$0x1] =	stream.indirect_vreg.gather [hbm4b:s10+s2], $0x80, v3, vm0, $0xb8;
	[tilespmem:$0x10200] =	vst v63  }
0xb2: {  	s29 =	simm.s32 $0xFA00  }
0xb3: {  	[tilespmem:s29], [sflag:$0x1] =	stream.indirect_vreg.gather [hbm4b:s11+s2], $0x80, v3, vm0, $0xb8;
	[tilespmem:$0x10200] =	vst v63  }
0xb4: {  	_ =	swait.ge [sflag:s28], $0x10000  }
0xb5: {  	[sflag:s28] =	ssyncset.done $0x0  }
0xb6: {  	s29 =	rddreg [dreg:$0x4];
	[sflag:s28] =	ssyncadd.s32 $0xFFFF0000  }
0xb7: {  	[hbm4b:s29+s2] =	stream.linear.scatter [tilespmem:s14], [sflag:$0x2], $0x10000, $0x38;
	[tilespmem:$0x10200] =	vst v63  }
0xb8: {  	_ =	swait.ge [sflag:s13], $0x10000  }
0xb9: {  	[sflag:s13] =	ssyncset.done $0x0  }
0xba: {  	[sflag:s13] =	ssyncadd.s32 $0xFFFF0000  }
0xbb: {  	v3 =	vld [tilespmem:$0x100];
	_ =	sdelay $0x4  }
0xbc: {  	v60 =	vshll.u32 v3, $0x4  }
0xbd: {  	v3 =	vand.u32 $0x7, v3;
	v4 =	vand.u32 $0xFFFFFF80, v60  }
0xbe: {  	v3 =	vor.u32 v3, v4  }
0xbf: {  	v4 =	vperm.xlane v3, v0;
	_ =	sdelay $0x1  }
0xc0: {  	v4 =	vadd.s32 v1, v4;
	_ =	sdelay $0x4  }
0xc1: {  	[tilespmem:s14], [sflag:$0x1] =	stream.indirect_vreg.gather [hbm4b:s3+s2], $0x80, v4, vm0, $0xb8;
	[tilespmem:$0x10200] =	vst v63  }
0xc2: {  	_ = 	snop  }
0xc3: {  	[tilespmem:s30], [sflag:$0x1] =	stream.indirect_vreg.gather [hbm4b:s4+s2], $0x80, v4, vm0, $0xb8;
	[tilespmem:$0x10200] =	vst v63  }
0xc4: {  	_ = 	snop  }
0xc5: {  	[tilespmem:s31], [sflag:$0x1] =	stream.indirect_vreg.gather [hbm4b:s5+s2], $0x80, v4, vm0, $0xb8;
	[tilespmem:$0x10200] =	vst v63  }
0xc6: {  	_ = 	snop  }
0xc7: {  	[tilespmem:s1], [sflag:$0x1] =	stream.indirect_vreg.gather [hbm4b:s6+s2], $0x80, v4, vm0, $0xb8;
	[tilespmem:$0x10200] =	vst v63  }
0xc8: {  	_ = 	snop  }
0xc9: {  	[tilespmem:s0], [sflag:$0x1] =	stream.indirect_vreg.gather [hbm4b:s8+s2], $0x80, v4, vm0, $0xb8;
	[tilespmem:$0x10200] =	vst v63  }
0xca: {  	v3 =	vperm.xlane v3, v2  }
0xcb: {  	[tilespmem:s7], [sflag:$0x1] =	stream.indirect_vreg.gather [hbm4b:s9+s2], $0x80, v4, vm0, $0xb8;
	[tilespmem:$0x10200] =	vst v63  }
0xcc: {  	v3 =	vadd.s32 v1, v3  }
0xcd: {  	[tilespmem:s15], [sflag:$0x1] =	stream.indirect_vreg.gather [hbm4b:s10+s2], $0x80, v4, vm0, $0xb8;
	[tilespmem:$0x10200] =	vst v63  }
0xce: {  	_ = 	snop  }
0xcf: {  	[tilespmem:s16], [sflag:$0x1] =	stream.indirect_vreg.gather [hbm4b:s11+s2], $0x80, v4, vm0, $0xb8;
	[tilespmem:$0x10200] =	vst v63  }
0xd0: {  	_ = 	snop  }
0xd1: {  	[tilespmem:s17], [sflag:$0x1] =	stream.indirect_vreg.gather [hbm4b:s3+s2], $0x80, v3, vm0, $0xb8;
	[tilespmem:$0x10200] =	vst v63  }
0xd2: {  	_ = 	snop  }
0xd3: {  	[tilespmem:s18], [sflag:$0x1] =	stream.indirect_vreg.gather [hbm4b:s4+s2], $0x80, v3, vm0, $0xb8;
	[tilespmem:$0x10200] =	vst v63  }
0xd4: {  	_ = 	snop  }
0xd5: {  	[tilespmem:s19], [sflag:$0x1] =	stream.indirect_vreg.gather [hbm4b:s5+s2], $0x80, v3, vm0, $0xb8;
	[tilespmem:$0x10200] =	vst v63  }
0xd6: {  	_ = 	snop  }
0xd7: {  	[tilespmem:s20], [sflag:$0x1] =	stream.indirect_vreg.gather [hbm4b:s6+s2], $0x80, v3, vm0, $0xb8;
	[tilespmem:$0x10200] =	vst v63  }
0xd8: {  	_ = 	snop  }
0xd9: {  	[tilespmem:s21], [sflag:$0x1] =	stream.indirect_vreg.gather [hbm4b:s8+s2], $0x80, v3, vm0, $0xb8;
	[tilespmem:$0x10200] =	vst v63  }
0xda: {  	_ = 	snop  }
0xdb: {  	[tilespmem:s22], [sflag:$0x1] =	stream.indirect_vreg.gather [hbm4b:s9+s2], $0x80, v3, vm0, $0xb8;
	[tilespmem:$0x10200] =	vst v63  }
0xdc: {  	_ = 	snop  }
0xdd: {  	[tilespmem:s23], [sflag:$0x1] =	stream.indirect_vreg.gather [hbm4b:s10+s2], $0x80, v3, vm0, $0xb8;
	[tilespmem:$0x10200] =	vst v63  }
0xde: {  	_ = 	snop  }
0xdf: {  	[tilespmem:s24], [sflag:$0x1] =	stream.indirect_vreg.gather [hbm4b:s11+s2], $0x80, v3, vm0, $0xb8;
	[tilespmem:$0x10200] =	vst v63  }
0xe0: {  	v3 =	vld [tilespmem:$0x110];
	_ =	sdelay $0x4  }
0xe1: {  	v61 =	vshll.u32 v3, $0x4  }
0xe2: {  	v3 =	vand.u32 $0x7, v3;
	v4 =	vand.u32 $0xFFFFFF80, v61  }
0xe3: {  	v3 =	vor.u32 v3, v4  }
0xe4: {  	v4 =	vperm.xlane v3, v0;
	_ =	sdelay $0x1  }
0xe5: {  	v4 =	vadd.s32 v1, v4;
	_ =	sdelay $0x4  }
0xe6: {  	[tilespmem:s25], [sflag:$0x1] =	stream.indirect_vreg.gather [hbm4b:s3+s2], $0x80, v4, vm0, $0xb8;
	[tilespmem:$0x10200] =	vst v63  }
0xe7: {  	_ = 	snop  }
0xe8: {  	[tilespmem:s26], [sflag:$0x1] =	stream.indirect_vreg.gather [hbm4b:s4+s2], $0x80, v4, vm0, $0xb8;
	[tilespmem:$0x10200] =	vst v63  }
0xe9: {  	s29 =	simm.s32 $0x9200  }
0xea: {  	[tilespmem:s29], [sflag:$0x1] =	stream.indirect_vreg.gather [hbm4b:s5+s2], $0x80, v4, vm0, $0xb8;
	[tilespmem:$0x10200] =	vst v63  }
0xeb: {  	s29 =	simm.s32 $0x9A00  }
0xec: {  	[tilespmem:s29], [sflag:$0x1] =	stream.indirect_vreg.gather [hbm4b:s6+s2], $0x80, v4, vm0, $0xb8;
	[tilespmem:$0x10200] =	vst v63  }
0xed: {  	s29 =	simm.s32 $0xA200  }
0xee: {  	[tilespmem:s29], [sflag:$0x1] =	stream.indirect_vreg.gather [hbm4b:s8+s2], $0x80, v4, vm0, $0xb8;
	[tilespmem:$0x10200] =	vst v63  }
0xef: {  	v3 =	vperm.xlane v3, v2;
	s29 =	simm.s32 $0xAA00  }
0xf0: {  	[tilespmem:s29], [sflag:$0x1] =	stream.indirect_vreg.gather [hbm4b:s9+s2], $0x80, v4, vm0, $0xb8;
	[tilespmem:$0x10200] =	vst v63  }
0xf1: {  	v3 =	vadd.s32 v1, v3;
	s29 =	simm.s32 $0xB200  }
0xf2: {  	[tilespmem:s29], [sflag:$0x1] =	stream.indirect_vreg.gather [hbm4b:s10+s2], $0x80, v4, vm0, $0xb8;
	[tilespmem:$0x10200] =	vst v63  }
0xf3: {  	s29 =	simm.s32 $0xBA00  }
0xf4: {  	[tilespmem:s29], [sflag:$0x1] =	stream.indirect_vreg.gather [hbm4b:s11+s2], $0x80, v4, vm0, $0xb8;
	[tilespmem:$0x10200] =	vst v63  }
0xf5: {  	s29 =	simm.s32 $0xC200  }
0xf6: {  	[tilespmem:s29], [sflag:$0x1] =	stream.indirect_vreg.gather [hbm4b:s3+s2], $0x80, v3, vm0, $0xb8;
	[tilespmem:$0x10200] =	vst v63  }
0xf7: {  	s29 =	simm.s32 $0xCA00  }
0xf8: {  	[tilespmem:s29], [sflag:$0x1] =	stream.indirect_vreg.gather [hbm4b:s4+s2], $0x80, v3, vm0, $0xb8;
	[tilespmem:$0x10200] =	vst v63  }
0xf9: {  	s29 =	simm.s32 $0xD200  }
0xfa: {  	[tilespmem:s29], [sflag:$0x1] =	stream.indirect_vreg.gather [hbm4b:s5+s2], $0x80, v3, vm0, $0xb8;
	[tilespmem:$0x10200] =	vst v63  }
0xfb: {  	s29 =	simm.s32 $0xDA00  }
0xfc: {  	[tilespmem:s29], [sflag:$0x1] =	stream.indirect_vreg.gather [hbm4b:s6+s2], $0x80, v3, vm0, $0xb8;
	[tilespmem:$0x10200] =	vst v63  }
0xfd: {  	s29 =	simm.s32 $0xE200  }
0xfe: {  	[tilespmem:s29], [sflag:$0x1] =	stream.indirect_vreg.gather [hbm4b:s8+s2], $0x80, v3, vm0, $0xb8;
	[tilespmem:$0x10200] =	vst v63  }
0xff: {  	s29 =	simm.s32 $0xEA00  }
0x100: {  	[tilespmem:s29], [sflag:$0x1] =	stream.indirect_vreg.gather [hbm4b:s9+s2], $0x80, v3, vm0, $0xb8;
	[tilespmem:$0x10200] =	vst v63  }
0x101: {  	s29 =	simm.s32 $0xF200  }
0x102: {  	[tilespmem:s29], [sflag:$0x1] =	stream.indirect_vreg.gather [hbm4b:s10+s2], $0x80, v3, vm0, $0xb8;
	[tilespmem:$0x10200] =	vst v63  }
0x103: {  	s29 =	simm.s32 $0xFA00  }
0x104: {  	[tilespmem:s29], [sflag:$0x1] =	stream.indirect_vreg.gather [hbm4b:s11+s2], $0x80, v3, vm0, $0xb8;
	[tilespmem:$0x10200] =	vst v63  }
0x105: {  	_ =	swait.ge [sflag:s28], $0x10000  }
0x106: {  	[sflag:s28] =	ssyncset.done $0x0  }
0x107: {  	s29 =	rddreg [dreg:$0x5];
	[sflag:s28] =	ssyncadd.s32 $0xFFFF0000  }
0x108: {  	[hbm4b:s29+s2] =	stream.linear.scatter [tilespmem:s14], [sflag:$0x2], $0x10000, $0x38;
	[tilespmem:$0x10200] =	vst v63  }
0x109: {  	_ =	swait.ge [sflag:s13], $0x10000  }
0x10a: {  	[sflag:s13] =	ssyncset.done $0x0  }
0x10b: {  	[sflag:s13] =	ssyncadd.s32 $0xFFFF0000  }
0x10c: {  	v3 =	vld [tilespmem:$0x180];
	_ =	sdelay $0x4  }
0x10d: {  	v62 =	vshll.u32 v3, $0x4  }
0x10e: {  	v3 =	vand.u32 $0x7, v3;
	v4 =	vand.u32 $0xFFFFFF80, v62  }
0x10f: {  	v3 =	vor.u32 v3, v4  }
0x110: {  	v4 =	vperm.xlane v3, v0;
	_ =	sdelay $0x1  }
0x111: {  	v4 =	vadd.s32 v1, v4;
	_ =	sdelay $0x4  }
0x112: {  	[tilespmem:s14], [sflag:$0x1] =	stream.indirect_vreg.gather [hbm4b:s3+s2], $0x80, v4, vm0, $0xb8;
	[tilespmem:$0x10200] =	vst v63  }
0x113: {  	_ = 	snop  }
0x114: {  	[tilespmem:s30], [sflag:$0x1] =	stream.indirect_vreg.gather [hbm4b:s4+s2], $0x80, v4, vm0, $0xb8;
	[tilespmem:$0x10200] =	vst v63  }
0x115: {  	_ = 	snop  }
0x116: {  	[tilespmem:s31], [sflag:$0x1] =	stream.indirect_vreg.gather [hbm4b:s5+s2], $0x80, v4, vm0, $0xb8;
	[tilespmem:$0x10200] =	vst v63  }
0x117: {  	_ = 	snop  }
0x118: {  	[tilespmem:s1], [sflag:$0x1] =	stream.indirect_vreg.gather [hbm4b:s6+s2], $0x80, v4, vm0, $0xb8;
	[tilespmem:$0x10200] =	vst v63  }
0x119: {  	_ = 	snop  }
0x11a: {  	[tilespmem:s0], [sflag:$0x1] =	stream.indirect_vreg.gather [hbm4b:s8+s2], $0x80, v4, vm0, $0xb8;
	[tilespmem:$0x10200] =	vst v63  }
0x11b: {  	v3 =	vperm.xlane v3, v2  }
0x11c: {  	[tilespmem:s7], [sflag:$0x1] =	stream.indirect_vreg.gather [hbm4b:s9+s2], $0x80, v4, vm0, $0xb8;
	[tilespmem:$0x10200] =	vst v63  }
0x11d: {  	v3 =	vadd.s32 v1, v3  }
0x11e: {  	[tilespmem:s15], [sflag:$0x1] =	stream.indirect_vreg.gather [hbm4b:s10+s2], $0x80, v4, vm0, $0xb8;
	[tilespmem:$0x10200] =	vst v63  }
0x11f: {  	_ = 	snop  }
0x120: {  	[tilespmem:s16], [sflag:$0x1] =	stream.indirect_vreg.gather [hbm4b:s11+s2], $0x80, v4, vm0, $0xb8;
	[tilespmem:$0x10200] =	vst v63  }
0x121: {  	_ = 	snop  }
0x122: {  	[tilespmem:s17], [sflag:$0x1] =	stream.indirect_vreg.gather [hbm4b:s3+s2], $0x80, v3, vm0, $0xb8;
	[tilespmem:$0x10200] =	vst v63  }
0x123: {  	_ = 	snop  }
0x124: {  	[tilespmem:s18], [sflag:$0x1] =	stream.indirect_vreg.gather [hbm4b:s4+s2], $0x80, v3, vm0, $0xb8;
	[tilespmem:$0x10200] =	vst v63  }
0x125: {  	_ = 	snop  }
0x126: {  	[tilespmem:s19], [sflag:$0x1] =	stream.indirect_vreg.gather [hbm4b:s5+s2], $0x80, v3, vm0, $0xb8;
	[tilespmem:$0x10200] =	vst v63  }
0x127: {  	_ = 	snop  }
0x128: {  	[tilespmem:s20], [sflag:$0x1] =	stream.indirect_vreg.gather [hbm4b:s6+s2], $0x80, v3, vm0, $0xb8;
	[tilespmem:$0x10200] =	vst v63  }
0x129: {  	_ = 	snop  }
0x12a: {  	[tilespmem:s21], [sflag:$0x1] =	stream.indirect_vreg.gather [hbm4b:s8+s2], $0x80, v3, vm0, $0xb8;
	[tilespmem:$0x10200] =	vst v63  }
0x12b: {  	_ = 	snop  }
0x12c: {  	[tilespmem:s22], [sflag:$0x1] =	stream.indirect_vreg.gather [hbm4b:s9+s2], $0x80, v3, vm0, $0xb8;
	[tilespmem:$0x10200] =	vst v63  }
0x12d: {  	_ = 	snop  }
0x12e: {  	[tilespmem:s23], [sflag:$0x1] =	stream.indirect_vreg.gather [hbm4b:s10+s2], $0x80, v3, vm0, $0xb8;
	[tilespmem:$0x10200] =	vst v63  }
0x12f: {  	_ = 	snop  }
0x130: {  	[tilespmem:s24], [sflag:$0x1] =	stream.indirect_vreg.gather [hbm4b:s11+s2], $0x80, v3, vm0, $0xb8;
	[tilespmem:$0x10200] =	vst v63  }
0x131: {  	v3 =	vld [tilespmem:$0x190];
	_ =	sdelay $0x4  }
0x132: {  	v63 =	vshll.u32 v3, $0x4  }
0x133: {  	v3 =	vand.u32 $0x7, v3;
	v4 =	vand.u32 $0xFFFFFF80, v63  }
0x134: {  	v3 =	vor.u32 v3, v4  }
0x135: {  	v4 =	vperm.xlane v3, v0;
	_ =	sdelay $0x1  }
0x136: {  	v4 =	vadd.s32 v1, v4;
	_ =	sdelay $0x4  }
0x137: {  	[tilespmem:s25], [sflag:$0x1] =	stream.indirect_vreg.gather [hbm4b:s3+s2], $0x80, v4, vm0, $0xb8;
	[tilespmem:$0x10200] =	vst v63  }
0x138: {  	_ = 	snop  }
0x139: {  	[tilespmem:s26], [sflag:$0x1] =	stream.indirect_vreg.gather [hbm4b:s4+s2], $0x80, v4, vm0, $0xb8;
	[tilespmem:$0x10200] =	vst v63  }
0x13a: {  	s29 =	simm.s32 $0x9200  }
0x13b: {  	[tilespmem:s29], [sflag:$0x1] =	stream.indirect_vreg.gather [hbm4b:s5+s2], $0x80, v4, vm0, $0xb8;
	[tilespmem:$0x10200] =	vst v63  }
0x13c: {  	s29 =	simm.s32 $0x9A00  }
0x13d: {  	[tilespmem:s29], [sflag:$0x1] =	stream.indirect_vreg.gather [hbm4b:s6+s2], $0x80, v4, vm0, $0xb8;
	[tilespmem:$0x10200] =	vst v63  }
0x13e: {  	s29 =	simm.s32 $0xA200  }
0x13f: {  	[tilespmem:s29], [sflag:$0x1] =	stream.indirect_vreg.gather [hbm4b:s8+s2], $0x80, v4, vm0, $0xb8;
	[tilespmem:$0x10200] =	vst v63  }
0x140: {  	v3 =	vperm.xlane v3, v2;
	s29 =	simm.s32 $0xAA00  }
0x141: {  	[tilespmem:s29], [sflag:$0x1] =	stream.indirect_vreg.gather [hbm4b:s9+s2], $0x80, v4, vm0, $0xb8;
	[tilespmem:$0x10200] =	vst v63  }
0x142: {  	v3 =	vadd.s32 v1, v3;
	s29 =	simm.s32 $0xB200  }
0x143: {  	[tilespmem:s29], [sflag:$0x1] =	stream.indirect_vreg.gather [hbm4b:s10+s2], $0x80, v4, vm0, $0xb8;
	[tilespmem:$0x10200] =	vst v63  }
0x144: {  	s29 =	simm.s32 $0xBA00  }
0x145: {  	[tilespmem:s29], [sflag:$0x1] =	stream.indirect_vreg.gather [hbm4b:s11+s2], $0x80, v4, vm0, $0xb8;
	[tilespmem:$0x10200] =	vst v63  }
0x146: {  	s29 =	simm.s32 $0xC200  }
0x147: {  	[tilespmem:s29], [sflag:$0x1] =	stream.indirect_vreg.gather [hbm4b:s3+s2], $0x80, v3, vm0, $0xb8;
	[tilespmem:$0x10200] =	vst v63  }
0x148: {  	s29 =	simm.s32 $0xCA00  }
0x149: {  	[tilespmem:s29], [sflag:$0x1] =	stream.indirect_vreg.gather [hbm4b:s4+s2], $0x80, v3, vm0, $0xb8;
	[tilespmem:$0x10200] =	vst v63  }
0x14a: {  	s29 =	simm.s32 $0xD200  }
0x14b: {  	[tilespmem:s29], [sflag:$0x1] =	stream.indirect_vreg.gather [hbm4b:s5+s2], $0x80, v3, vm0, $0xb8;
	[tilespmem:$0x10200] =	vst v63  }
0x14c: {  	s29 =	simm.s32 $0xDA00  }
0x14d: {  	[tilespmem:s29], [sflag:$0x1] =	stream.indirect_vreg.gather [hbm4b:s6+s2], $0x80, v3, vm0, $0xb8;
	[tilespmem:$0x10200] =	vst v63  }
0x14e: {  	s29 =	simm.s32 $0xE200  }
0x14f: {  	[tilespmem:s29], [sflag:$0x1] =	stream.indirect_vreg.gather [hbm4b:s8+s2], $0x80, v3, vm0, $0xb8;
	[tilespmem:$0x10200] =	vst v63  }
0x150: {  	s29 =	simm.s32 $0xEA00  }
0x151: {  	[tilespmem:s29], [sflag:$0x1] =	stream.indirect_vreg.gather [hbm4b:s9+s2], $0x80, v3, vm0, $0xb8;
	[tilespmem:$0x10200] =	vst v63  }
0x152: {  	s29 =	simm.s32 $0xF200  }
0x153: {  	[tilespmem:s29], [sflag:$0x1] =	stream.indirect_vreg.gather [hbm4b:s10+s2], $0x80, v3, vm0, $0xb8;
	[tilespmem:$0x10200] =	vst v63  }
0x154: {  	s29 =	simm.s32 $0xFA00  }
0x155: {  	[tilespmem:s29], [sflag:$0x1] =	stream.indirect_vreg.gather [hbm4b:s11+s2], $0x80, v3, vm0, $0xb8;
	[tilespmem:$0x10200] =	vst v63  }
0x156: {  	_ =	swait.ge [sflag:s28], $0x10000  }
0x157: {  	p0 =	sne.s32 s12, $0x1;
	[sflag:s28] =	ssyncset.done $0x0  }
.Ltmp0:
0x158: {  	s0 =	rddreg [dreg:$0x6];
	[sflag:s28] =	ssyncadd.s32 $0xFFFF0000;
	(pc) =	sbr.rel @p0 .LBB2_1-.Ltmp0, $4  }
0x159: {  	[hbm4b:s0+s2] =	stream.linear.scatter [tilespmem:s14], [sflag:$0x2], $0x10000, $0x38;
	[tilespmem:$0x10200] =	vst v63  }
0x15a: {  	_ =	swait.ge [sflag:s13], $0x10000  }
0x15b: {  	[sflag:s13] =	ssyncset.done $0x0  }
0x15c: {  	s12 =	sadd.s32 $0xFFFFFFFF, s12;
	[sflag:s13] =	ssyncadd.s32 $0xFFFF0000  }
0x15d: {  	_ =	sfence.sel $0x180000  }
0x15e: {  	[bflag:$0x0] =	sbarrier.arrive $0xFFFF  }
0x15f: {  	_ =	strace $0x90000050  }
0x160: {  	s0 =	stileid.u32;
	[bflag:$0x2] =	sbarrier.arrive $0xFFFF  }
0x161: {  	p0 =	sne.s32 s0, $0x0;
	s0 =	rddreg [dreg:$0x2]  }
0x162: {  	s0 =	sadd.s32 @!p0 $0x100000, s0  }
0x163: {  	[sflag:s0] =	ssyncadd.tile.s32 @!p0 $0x1;
	_ =	shalt  }
.Lfunc_end2:
_tile_overlayer_lowered:
.L_overlay_start_2:
0x164: {  	(tag) =	ssettag $0x2  }
0x165: {  	s0 =	rddreg [dreg:$0x0];
	s2 =	stileid.u32  }
0x166: {  	s1 =	rddreg [dreg:$0x1];
	p0 =	sne.s32 s2, $0x0  }
0x167: {  	s3 =	rddreg [dreg:$0x2];
	[bflag:$0x3] =	sbarrier.arrive $0xFFFF;
	s2 =	simm.s32 @!p0 $0x1C02  }
0x168: {  	[timem:s3], [sflag:s2] =	dma.local @!p0 [hbm:s0], s1  }
0x169: {  	s0 =	simm.s32 @!p0 $0x2  }
0x16a: {  	_ =	swait.ge @!p0 [sflag:s0], s1  }
0x16b: {  	s1 =	ssub.s32 @!p0 $0x0, s1;
	[sflag:s0] =	ssyncset.done @!p0 $0x0  }
0x16c: {  	[sflag:s0] =	ssyncadd.s32 @!p0 s1  }
0x16d: {  	[bflag:$0x3] =	sbarrier.arrive $0xFFFF  }
0x16e: {  	_ =	shalt  }

// kernel: sparse-core-data-format-call.1.cloned.1.call-start
scs
called_computation.1_lowered:
.L_overlay_start_0:
0x0: {  	s1 =	sld [smem:$0x3FD9]  }
0x1: {  	s2 =	sld [smem:$0x3FFE];
	_ =	sdelay $0x1  }
0x2: {  	s3 =	srdreg.scid  }
0x3: {  	s0 =	sand.u32 $0x1, s3  }
0x4: {  	s17 =	sshll.u32 s0, $0xA;
	s1 =	sadd.s32 s2, s1  }
0x5: {  	s1 =	sadd.s32 s1, s17  }
0x6: {  	[smem:$0x3FC1] =	sst s1  }
0x7: {  	_ = 	snop  }
0x8: {  	(tm) =	ssettm $0x1  }
0x9: {  	s18 =	sld [smem:$0x3FFB];
	_ =	sdelay $0x3  }
0xa: {  	_ =	strace s18  }
0xb: {  	s1 =	sld [smem:$0x3FFC];
	_ =	sdelay $0x3  }
0xc: {  	_ =	strace s1  }
0xd: {  	s1 =	sld [smem:$0x3FFD];
	_ =	sdelay $0x3  }
0xe: {  	_ =	strace s1  }
0xf: {  	_ =	strace $0x8FFFFFFF  }
0x10: {  	s19 =	sld [smem:$0x3FDB];
	_ =	sdelay $0x1  }
0x11: {  	s20 =	simm.s32 $_scs_section_size  }
0x12: {  	s4 =	simm.s32 $_size__tile_overlayer_lowered;
	s5 =	simm.s32 $_tile_overlayer_lowered  }
0x13: {  	s23 =	simm.s32 $0x1BFF;
	s22 =	sshll.u32 s5, $0x1;
	s1 =	sadd.s32 s20, s19  }
0x14: {  	s6 =	simm.s32 $0x0;
	s21 =	sshll.u32 s4, $0x1;
	s4 =	sadd.s32 s22, s1  }
0x15: {  	[timem:s6], [sflag:s23] =	dma.local [hbm:s4], s21  }
0x16: {  	_ =	swait.ge [sflag:s23], s21  }
0x17: {  	s2 =	ssub.s32 $0x0, s21;
	[sflag:s23] =	ssyncset.done $0x0  }
0x18: {  	[sflag:s23] =	ssyncadd.s32 s2;
	_ =	sdelay $0x1  }
0x19: {  	s24 =	simm.s32 $0x1B8B  }
0x1a: {  	_ =	swait.ge [sflag:s24], $0x1  }
0x1b: {  	[sflag:s24] =	ssyncset.done $0x0  }
0x1c: {  	s26 =	simm.s32 $0x1B8E;
	s25 =	sld [smem:$0x3FFE];
	[sflag:s24] =	ssyncadd.s32 $0xFFFFFFFF  }
0x1d: {  	s27 =	simm.s32 $execute0_lowered;
	[smem:$0x3FD2] =	sst s26  }
0x1e: {  	s4 =	sshll.u32 s27, $0x1;
	_ =	strace $0x80000046;
	[dreg:$0x1] =	wrdreg $0xFFFFFFFF  }
0x1f: {  	s28 =	simm.s32 $_size_execute0_lowered;
	s1 =	sadd.s32 s1, s4;
	[dreg:$0x0] =	wrdreg $0x0  }
0x20: {  	s4 =	sshll.u32 s28, $0x1;
	[dreg:$0x2] =	wrdreg s1  }
0x21: {  	[dreg:$0x3] =	wrdreg s4  }
0x22: {  	[dreg:$0x4] =	wrdreg $0xC0  }
0x23: {  	_ =	task [dreg:s6], $0x5FFFF  }
0x24: {  	[dreg:$0x1] =	wrdreg $0xFFFFFFFF  }
0x25: {  	[dreg:$0x0] =	wrdreg $0x60  }
0x26: {  	[dreg:$0x2] =	wrdreg s25  }
0x27: {  	[dreg:$0x3] =	wrdreg $0x9  }
0x28: {  	_ =	task.clear_ibuf [dreg:s6], $0x4FFFF;
	_ =	strace $0x90000046  }
0x29: {  	s29 =	simm.s32 $0x9;
	_ =	strace $0x80000048  }
0x2a: {  	_ =	swait.ge [sflag:s29], $0x1  }
0x2b: {  	[sflag:s29] =	ssyncadd.s32 $0xFFFFFFFF  }
0x2c: {  	_ =	strace $0x90000048  }
0x2d: {  	_ =	sfence  }
0x2e: {  	s30 =	sld [smem:$0x0];
	_ =	sdelay $0x2  }
0x2f: {  	s31 =	sshll.u32 s3, $0xD;
	s3 =	sshrl.u32 s3, $0x2  }
0x30: {  	s2 =	sand.u32 $0x4000, s31;
	s1 =	sadd.s32 s3, s30  }
0x31: {  	s0 =	sor.u32 s2, s0;
	s1 =	sshll.u32 s1, $0x11  }
0x32: {  	s0 =	sor.u32 s1, s0  }
0x33: {  	s0 =	sadd.s32 $0x8F2B, s0  }
0x34: {  	[sflag:s0] =	ssyncadd.remote.s32 $0x1  }
0x35: {  	_ =	sfence.sel $0xFFFF  }
0x36: {  	[dreg:$0x0] =	wrdreg $0xFFFFFFFF;
	(pc) =	sbr.abs _section_cstart, $3  }
0x37: {  	[dreg:$0x1] =	wrdreg $0xFFFFFFFF  }
0x38: {  	_ =	task.clear_ibuf [dreg:s6], $0x2FFFF;
	_ =	strace $0x9FFFFFFF  }
0x39: {  	(tm) =	ssettm $0x7FFFFFFF  }
tec
execute0_lowered:
.L_overlay_start_1:
0x0: {  	(tag) =	ssettag $0x1  }
0x1: {  	s0 =	srdreg.scid  }
0x2: {  	s1 =	sshll.u32 s0, $0x4  }
0x3: {  	s0 =	stileid.u32;
	s1 =	sand.u32 $0x10, s1  }
0x4: {  	s1 =	sor.u32 s0, s1  }
0x5: {  	s6 =	rddreg [dreg:$0x0];
	s7 =	simm.s32 $0x2;
	s2 =	sshll.u32 s1, $0x7  }
0x6: {  	s13 =	simm.s32 $0x0;
	s8 =	simm.s32 $0x8000;
	s1 =	ssub.s32 $0x1000, s2  }
0x7: {  	s12 =	simm.s32 $0x0;
	s9 =	simm.s32 $0x0;
	s3 =	sand.u32 $0xF80, s1  }
0x8: {  	s11 =	simm.s32 $0x0;
	p0 =	sne.s32 s3, $0x0;
	s3 =	simm.s32 $0x1  }
.Ltmp0:
0x9: {  	s4 =	sshrl.u32 s1, $0xC;
	s3 =	simm.s32 @!p0 $0x0;
	(pc) =	sbr.rel .LBB1_1-.Ltmp0, $4  }
0xa: {  	s5 =	sadd.s32 $0x1000, s6;
	s1 =	rddreg [dreg:$0x1];
	s4 =	sadd.s32 s3, s4  }
0xb: {  	_ =	strace $0x80000047;
	s3 =	simm.s32 $0x1;
	s4 =	smul.u32 $0x12, s4  }
0xc: {  	s6 =	sadd.s32 $0x121000, s6;
	s10 =	smov.u32 s2;
	[sflag:s3] =	ssyncpa.u1 $0x0  }
0xd: {  	p0 =	por $0x0, $0x0;
	[sflag:s7] =	ssyncpa.u1 $0x0;
	s7 =	sor.u32 $0x1, s4  }
.LBB1_4:
0xe: {  	v5 =	vld [tilespmem:s16+$0xFFFFFFD0];
	[tilespmem:s17+$0x2040 ss:$0x81] =	vst.msk $0xffff, v3  }
0xf: {  	v58 =	vld [tilespmem:s16+$0xFFFFFFE0];
	[tilespmem:s17+$0x2850 ss:$0x81] =	vst.msk $0xffff, v4;
	s19 =	sshll.u32 s13, $0xC;
	s20 =	sshll.u32 s12, $0x3  }
0x10: {  	s18 =	sshra.s32 s18, $0x2;
	v59 =	vld [tilespmem:s16+$0xFFFFFFF0];
	[tilespmem:s17+$0x3060 ss:$0x81] =	vst.msk $0xffff, v2;
	s19 =	sand.u32 $0xFFFF8000, s19;
	s21 =	sand.u32 $0xFFFFFC00, s20  }
0x11: {  	[tilespmem:s17+$0x0 ss:$0x81] =	vst.msk $0xffff, v0;
	v60 =	vld [tilespmem:s16+$0x0];
	s15 =	sadd.s32 s18, s15;
	s25 =	sadd.s32 s21, s19  }
0x12: {  	v61 =	vld [tilespmem:s16+$0x10];
	[tilespmem:s15+$0x3870 ss:$0x81] =	vst.msk $0xffff, v1;
	s17 =	sshrl.u32 s25, $0xC  }
0x13: {  	v62 =	vld [tilespmem:s16+$0x20];
	s26 =	smulhi.u32 $0x1C71C8, s17;
	[tilespmem:s15+$0x810 ss:$0x81] =	vst.msk $0xffff, v5  }
0x14: {  	v63 =	vld [tilespmem:s16+$0xFFFFFFC0];
	s27 =	sand.u32 $0x78, s12;
	s28 =	sshll.u32 s13, $0x7;
	s29 =	sand.u32 $0xC00, s20;
	[tilespmem:s15+$0x1020 ss:$0x81] =	vst.msk $0xffff, v58  }
0x15: {  	s13 =	sand.u32 $0x380, s28;
	s16 =	sor.u32 s27, s29;
	[tilespmem:s15+$0x1830 ss:$0x81] =	vst.msk $0xffff, v59;
	s18 =	smul.u32 $0x900, s26  }
0x16: {  	s13 =	sor.u32 s13, s16;
	[tilespmem:s15+$0x2040 ss:$0x81] =	vst.msk $0xffff, v60  }
0x17: {  	s31 =	sand.u32 $0x7, s12;
	s13 =	sshrl.u32 s13, $0x3;
	[tilespmem:s15+$0x2850 ss:$0x81] =	vst.msk $0xffff, v61;
	s30 =	ssub.s32 s17, s18  }
0x18: {  	s12 =	sshll.u32 s31, $0x12;
	[tilespmem:s15+$0x3060 ss:$0x81] =	vst.msk $0xffff, v62;
	s13 =	sadd.s32 s6, s13;
	s16 =	sshll.u32 s30, $0x9  }
0x19: {  	s12 =	sor.u32 $0x400, s12;
	[tilespmem:s15+$0x0 ss:$0x81] =	vst.msk $0xffff, v63;
	s13 =	sadd.s32 s16, s13  }
0x1a: {  	[hbm4b:s13+s12] =	stream.strided.scatter [tilespmem:s14], [sflag:$0x2], $0x4000, s8, s12, $0x20;
	[tilespmem:$0x10100] =	vst v63  }
.LBB1_5:
0x1b: {  	s14 =	sadd.s32 $0x80, s9  }
0x1c: {  	s12 =	sadd.s32 $0x1000, s10;
	s16 =	smov.u32 s10;
	p2 =	sgt.s32 s14, $0x8FF  }
0x1d: {  	s16 =	smov.u32 @p2 s12  }
0x1e: {  	s14 =	simm.s32 @p2 $0x0;
	p2 =	sgt.s32 s16, $0xFFF  }
0x1f: {  	s16 =	smov.u32 @p2 s2;
	p2 =	sne.s32 s11, s7  }
.Ltmp1:
0x20: {  	p1 =	slt.u32 s11, $0x2;
	(pc) =	sbr.rel @!p2 .LBB1_6-.Ltmp1, $4  }
0x21: {  	s15 =	simm.s32 @!p1 $0x2  }
0x22: {  	s13 =	smov.u32 s9;
	p0 =	por !p0, !p0;
	_ =	swait.ge @!p1 [sflag:s15], $0x4000  }
0x23: {  	s12 =	smov.u32 s10;
	[sflag:s15] =	ssyncset.done @!p1 $0x0;
	s9 =	smov.u32 s14  }
0x24: {  	s11 =	sadd.s32 $0x1, s11;
	[sflag:s15] =	ssyncadd.s32 @!p1 $0xFFFFC000;
	s10 =	smov.u32 s16  }
.LBB1_1:
0x25: {  	p1 =	sge.u32 s11, s4  }
0x26: {  	s14 =	sshrl.u32 @!p1 s10, $0x3  }
0x27: {  	s15 =	sshll.u32 @!p1 s9, $0x3;
	s14 =	smul.u32 @!p1 $0x4800, s14  }
0x28: {  	s16 =	sshll.u32 @!p1 s10, $0x7;
	s15 =	sand.u32 @!p1 $0xFFFFFC00, s15  }
0x29: {  	s14 =	sadd.s32 @!p1 s14, s15;
	s15 =	sand.u32 @!p1 $0x380, s16  }
0x2a: {  	s16 =	sand.u32 @!p1 $0x7F, s9;
	s14 =	sor.u32 @!p1 s15, s14  }
0x2b: {  	s15 =	sor.u32 @!p1 s16, s14  }
0x2c: {  	s16 =	smulhi.u32 @!p1 $0x38E38E39, s15;
	_ =	sdelay $0x1  }
0x2d: {  	s14 =	smulhi.u32 @!p1 $0x38E38E39, s14;
	s16 =	sshrl.u32 @!p1 s16, $0x9  }
0x2e: {  	s16 =	smul.u32 @!p1 $0x900, s16  }
0x2f: {  	s31 =	sadd.s32 $0xFFFFFFFF, s11;
	s17 =	sxor.u32 @!p1 $0xFFFFFFFF, s11;
	s14 =	sshrl.u32 @!p1 s14, $0x9  }
0x30: {  	s17 =	sshll.u32 @!p1 s17, $0xE;
	s14 =	sand.u32 @!p1 $0xFFF, s14;
	s15 =	ssub.s32 @!p1 s15, s16  }
0x31: {  	s14 =	smul.u32 @!p1 $0x120, s14;
	s16 =	sshrl.u32 @!p1 s15, $0x3;
	s15 =	sand.u32 @!p1 $0x7, s15  }
0x32: {  	s17 =	sand.u32 @!p1 $0x4000, s17;
	s16 =	sadd.s32 @!p1 s5, s16;
	s15 =	sshll.u32 @!p1 s15, $0x12  }
0x33: {  	s14 =	sadd.s32 @!p1 s14, s16;
	s15 =	sor.u32 @!p1 $0x400, s15;
	s16 =	simm.s32 @!p1 $0x4800  }
0x34: {  	[tilespmem:s17], [sflag:$0x1] =	stream.strided.gather @!p1 [hbm4b:s14+s15], $0x4000, s16, s15, $0x38;
	[tilespmem:$0x10100] =	vst v63  }
0x35: {  	p1 =	sge.u32 s31, s4  }
.Ltmp2:
0x36: {  	_ = 	snop;
	(pc) =	sbr.rel @p1 .LBB1_5-.Ltmp2, $1  }
0x37: {  	_ =	sdelay $0x3  }
0x38: {  	s14 =	simm.s32 $0x1  }
0x39: {  	_ =	swait.ge [sflag:s3], $0x4000;
	s14 =	simm.s32 @!p0 $0x0  }
0x3a: {  	[sflag:s3] =	ssyncset.done $0x0;
	s15 =	sshll.u32 s14, $0xE  }
0x3b: {  	[sflag:s3] =	ssyncadd.s32 $0xFFFFC000;
	s16 =	sor.u32 $0x40, s15  }
0x3c: {  	s14 =	smul.u32 $0x10200, s14;
	v0 =	vld [tilespmem:s16+$0x30]  }
0x3d: {  	v1 =	vld [tilespmem:s16+$0xFFFFFFD0]  }
0x3e: {  	s14 =	sshrl.u32 s14, $0x2;
	v5 =	vld [tilespmem:s16+$0xFFFFFFE0]  }
0x3f: {  	v6 =	vld [tilespmem:s16+$0xFFFFFFF0];
	s15 =	sor.u32 $0x8000, s14  }
0x40: {  	s31 =	sand.u32 $0x1, s11;
	v3 =	vld [tilespmem:s16+$0x0];
	s17 =	sadd.s32 $0x0, s15  }
0x41: {  	v4 =	vld [tilespmem:s16+$0x10];
	s14 =	smul.u32 $0x10200, s31;
	[tilespmem:s17+$0x3870 ss:$0x81] =	vst.msk $0xffff, v0  }
0x42: {  	v2 =	vld [tilespmem:s16+$0x20];
	[tilespmem:s17+$0x810 ss:$0x81] =	vst.msk $0xffff, v1  }
0x43: {  	s14 =	sshrl.u32 s14, $0x2;
	v0 =	vld [tilespmem:s16+$0xFFFFFFC0];
	[tilespmem:s17+$0x1020 ss:$0x81] =	vst.msk $0xffff, v5;
	s16 =	sadd.s32 $0x80, s16  }
0x44: {  	s18 =	simm.s32 $0x4;
	s19 =	simm.s32 $0x8;
	s14 =	sor.u32 $0x8000, s14;
	[tilespmem:s17+$0x1830 ss:$0x81] =	vst.msk $0xffff, v6;
	v1 =	vld [tilespmem:s16+$0x30]  }
.LBB1_3:
0x45: {  	p1 =	sne.s32 s19, $0x1FC;
	v5 =	vld [tilespmem:s16+$0xFFFFFFD0];
	[tilespmem:s17+$0x2040 ss:$0x81] =	vst.msk $0xffff, v3  }
0x46: {  	v6 =	vld [tilespmem:s16+$0xFFFFFFE0];
	[tilespmem:s17+$0x2850 ss:$0x81] =	vst.msk $0xffff, v4  }
0x47: {  	s20 =	sshra.s32 s18, $0x2;
	s18 =	smov.u32 s19;
	v7 =	vld [tilespmem:s16+$0xFFFFFFF0];
	[tilespmem:s17+$0x3060 ss:$0x81] =	vst.msk $0xffff, v2  }
.Ltmp3:
0x48: {  	v3 =	vld [tilespmem:s16+$0x0];
	[tilespmem:s17+$0x0 ss:$0x81] =	vst.msk $0xffff, v0;
	s17 =	sadd.s32 s20, s15;
	(pc) =	sbr.rel @p1 .LBB1_3-.Ltmp3, $4  }
0x49: {  	v4 =	vld [tilespmem:s16+$0x10];
	[tilespmem:s17+$0x3870 ss:$0x81] =	vst.msk $0xffff, v1  }
0x4a: {  	[tilespmem:s17+$0x810 ss:$0x81] =	vst.msk $0xffff, v5;
	v2 =	vld [tilespmem:s16+$0x20]  }
0x4b: {  	v0 =	vld [tilespmem:s16+$0xFFFFFFC0];
	[tilespmem:s17+$0x1020 ss:$0x81] =	vst.msk $0xffff, v6;
	s16 =	sadd.s32 $0x80, s16  }
0x4c: {  	s19 =	sadd.s32 $0x4, s19;
	v1 =	vld [tilespmem:s16+$0x30];
	[tilespmem:s17+$0x1830 ss:$0x81] =	vst.msk $0xffff, v7  }
.Ltmp4:
0x4d: {  	_ = 	snop;
	(pc) =	sbr.rel .LBB1_4-.Ltmp4, $1  }
0x4e: {  	_ =	sdelay $0x3  }
.LBB1_6:
0x4f: {  	_ =	sfence.sel $0x180000  }
0x50: {  	s2 =	simm.s32 $0x1;
	[bflag:$0x0] =	sbarrier.arrive $0xFFFF  }
0x51: {  	s31 =	simm.s32 $0x2;
	[sflag:s2] =	ssyncpa.u1 $0x1  }
0x52: {  	[sflag:s31] =	ssyncpa.u1 $0x1  }
0x53: {  	p0 =	sne.s32 s0, $0x0;
	_ =	strace $0x90000047  }
0x54: {  	s0 =	sadd.s32 @!p0 $0x100000, s1;
	[bflag:$0x2] =	sbarrier.arrive $0xFFFF  }
0x55: {  	[sflag:s0] =	ssyncadd.tile.s32 @!p0 $0x1;
	_ =	shalt  }
.Lfunc_end1:
_tile_overlayer_lowered:
.L_overlay_start_2:
0x56: {  	(tag) =	ssettag $0x2  }
0x57: {  	s0 =	rddreg [dreg:$0x0];
	s2 =	stileid.u32  }
0x58: {  	s1 =	rddreg [dreg:$0x1];
	p0 =	sne.s32 s2, $0x0  }
0x59: {  	s3 =	rddreg [dreg:$0x2];
	[bflag:$0x3] =	sbarrier.arrive $0xFFFF;
	s2 =	simm.s32 @!p0 $0x1C01  }
0x5a: {  	[timem:s3], [sflag:s2] =	dma.local @!p0 [hbm:s0], s1  }
0x5b: {  	s0 =	simm.s32 @!p0 $0x1  }
0x5c: {  	_ =	swait.ge @!p0 [sflag:s0], s1  }
0x5d: {  	s1 =	ssub.s32 @!p0 $0x0, s1;
	[sflag:s0] =	ssyncset.done @!p0 $0x0  }
0x5e: {  	[sflag:s0] =	ssyncadd.s32 @!p0 s1  }
0x5f: {  	[bflag:$0x3] =	sbarrier.arrive $0xFFFF  }
0x60: {  	_ =	shalt  }

// kernel: sparse-core-data-format-call.cloned.1.call-start
scs
called_computation_lowered:
.L_overlay_start_0:
0x0: {  	s1 =	sld [smem:$0x3FD9]  }
0x1: {  	s2 =	sld [smem:$0x3FFE];
	_ =	sdelay $0x1  }
0x2: {  	s3 =	srdreg.scid  }
0x3: {  	s0 =	sand.u32 $0x1, s3  }
0x4: {  	s17 =	sshll.u32 s0, $0xA;
	s1 =	sadd.s32 s2, s1  }
0x5: {  	s1 =	sadd.s32 s1, s17  }
0x6: {  	[smem:$0x3FC1] =	sst s1  }
0x7: {  	_ = 	snop  }
0x8: {  	(tm) =	ssettm $0x1  }
0x9: {  	s18 =	sld [smem:$0x3FFB];
	_ =	sdelay $0x3  }
0xa: {  	_ =	strace s18  }
0xb: {  	s1 =	sld [smem:$0x3FFC];
	_ =	sdelay $0x3  }
0xc: {  	_ =	strace s1  }
0xd: {  	s1 =	sld [smem:$0x3FFD];
	_ =	sdelay $0x3  }
0xe: {  	_ =	strace s1  }
0xf: {  	_ =	strace $0x8FFFFFFF  }
0x10: {  	s19 =	sld [smem:$0x3FDB];
	_ =	sdelay $0x1  }
0x11: {  	s20 =	simm.s32 $_scs_section_size  }
0x12: {  	s4 =	simm.s32 $_size__tile_overlayer_lowered;
	s5 =	simm.s32 $_tile_overlayer_lowered  }
0x13: {  	s23 =	simm.s32 $0x1BFF;
	s22 =	sshll.u32 s5, $0x1;
	s1 =	sadd.s32 s20, s19  }
0x14: {  	s6 =	simm.s32 $0x0;
	s21 =	sshll.u32 s4, $0x1;
	s4 =	sadd.s32 s22, s1  }
0x15: {  	[timem:s6], [sflag:s23] =	dma.local [hbm:s4], s21  }
0x16: {  	_ =	swait.ge [sflag:s23], s21  }
0x17: {  	s2 =	ssub.s32 $0x0, s21;
	[sflag:s23] =	ssyncset.done $0x0  }
0x18: {  	[sflag:s23] =	ssyncadd.s32 s2;
	_ =	sdelay $0x1  }
0x19: {  	s24 =	simm.s32 $0x1B8B  }
0x1a: {  	_ =	swait.ge [sflag:s24], $0x1  }
0x1b: {  	[sflag:s24] =	ssyncset.done $0x0  }
0x1c: {  	s26 =	simm.s32 $0x1B8E;
	s25 =	sld [smem:$0x3FFE];
	[sflag:s24] =	ssyncadd.s32 $0xFFFFFFFF  }
0x1d: {  	s27 =	simm.s32 $execute0_lowered;
	[smem:$0x3FD2] =	sst s26  }
0x1e: {  	s4 =	sshll.u32 s27, $0x1;
	_ =	strace $0x8000004C;
	[dreg:$0x1] =	wrdreg $0xFFFFFFFF  }
0x1f: {  	s28 =	simm.s32 $_size_execute0_lowered;
	s1 =	sadd.s32 s1, s4;
	[dreg:$0x0] =	wrdreg $0x0  }
0x20: {  	s4 =	sshll.u32 s28, $0x1;
	[dreg:$0x2] =	wrdreg s1  }
0x21: {  	[dreg:$0x3] =	wrdreg s4  }
0x22: {  	[dreg:$0x4] =	wrdreg $0xC0  }
0x23: {  	_ =	task [dreg:s6], $0x5FFFF  }
0x24: {  	[dreg:$0x1] =	wrdreg $0xFFFFFFFF  }
0x25: {  	[dreg:$0x0] =	wrdreg $0x60  }
0x26: {  	[dreg:$0x2] =	wrdreg s25  }
0x27: {  	[dreg:$0x3] =	wrdreg $0x9  }
0x28: {  	_ =	task.clear_ibuf [dreg:s6], $0x4FFFF;
	_ =	strace $0x9000004C  }
0x29: {  	s29 =	simm.s32 $0x9;
	_ =	strace $0x8000004E  }
0x2a: {  	_ =	swait.ge [sflag:s29], $0x1  }
0x2b: {  	[sflag:s29] =	ssyncadd.s32 $0xFFFFFFFF  }
0x2c: {  	_ =	strace $0x9000004E  }
0x2d: {  	_ =	sfence  }
0x2e: {  	s30 =	sld [smem:$0x0];
	_ =	sdelay $0x2  }
0x2f: {  	s31 =	sshll.u32 s3, $0xD;
	s3 =	sshrl.u32 s3, $0x2  }
0x30: {  	s2 =	sand.u32 $0x4000, s31;
	s1 =	sadd.s32 s3, s30  }
0x31: {  	s0 =	sor.u32 s2, s0;
	s1 =	sshll.u32 s1, $0x11  }
0x32: {  	s0 =	sor.u32 s1, s0  }
0x33: {  	s0 =	sadd.s32 $0x8F2B, s0  }
0x34: {  	[sflag:s0] =	ssyncadd.remote.s32 $0x1  }
0x35: {  	_ =	sfence.sel $0xFFFF  }
0x36: {  	[dreg:$0x0] =	wrdreg $0xFFFFFFFF;
	(pc) =	sbr.abs _section_cstart, $3  }
0x37: {  	[dreg:$0x1] =	wrdreg $0xFFFFFFFF  }
0x38: {  	_ =	task.clear_ibuf [dreg:s6], $0x2FFFF;
	_ =	strace $0x9FFFFFFF  }
0x39: {  	(tm) =	ssettm $0x7FFFFFFF  }
tec
execute0_lowered:
.L_overlay_start_1:
0x0: {  	(tag) =	ssettag $0x1  }
0x1: {  	s0 =	srdreg.scid;
	s5 =	rddreg [dreg:$0x0];
	s6 =	simm.s32 $0x2  }
0x2: {  	s15 =	simm.s32 $0x0;
	p0 =	por $0x0, $0x0;
	s1 =	sshll.u32 s0, $0x4  }
0x3: {  	s8 =	simm.s32 $0x4800;
	s0 =	stileid.u32;
	s1 =	sand.u32 $0x10, s1  }
0x4: {  	s14 =	simm.s32 $0x0;
	s9 =	simm.s32 $0x0;
	s1 =	sor.u32 s0, s1  }
0x5: {  	s10 =	simm.s32 $0x0;
	s12 =	simm.s32 $0x0;
	s2 =	sshll.u32 s1, $0x7  }
.Ltmp0:
0x6: {  	s13 =	simm.s32 $0x0;
	s3 =	ssub.s32 $0x1400, s2;
	(pc) =	sbr.rel .LBB1_1-.Ltmp0, $4  }
0x7: {  	s1 =	rddreg [dreg:$0x1];
	_ =	strace $0x8000004D;
	s4 =	sshrl.u32 s3, $0xC  }
0x8: {  	s11 =	smov.u32 s2;
	s3 =	simm.s32 $0x1;
	s7 =	smul.u32 $0x12, s4  }
0x9: {  	s4 =	sadd.s32 $0x241800, s5;
	[sflag:s3] =	ssyncpa.u1 $0x0;
	s5 =	sadd.s32 $0x1000, s5  }
0xa: {  	[sflag:s6] =	ssyncpa.u1 $0x0;
	s6 =	sadd.s32 $0x12, s7;
	s7 =	sadd.s32 $0x13, s7  }
.LBB1_5:
0xb: {  	p1 =	slt.u32 s13, $0x2  }
0xc: {  	s17 =	smov.u32 s15;
	p2 =	sgt.s32 @!p1 s15, $0x13C0;
	s16 =	sshra.s32 @!p1 s15, $0x1F  }
0xd: {  	p3 =	sgt.s32 @!p1 s14, $0x880;
	s18 =	sshra.s32 @!p1 s14, $0x1F;
	p2 =	por !p2, p1  }
0xe: {  	s15 =	sand.u32 @!p1 s16, s15;
	p3 =	por !p3, p1;
	s16 =	smov.u32 s14  }
0xf: {  	s14 =	sand.u32 @!p1 s18, s14;
	s17 =	simm.s32 @p2 $0x13C0;
	s16 =	simm.s32 @p3 $0x880  }
0x10: {  	s15 =	ssub.s32 @!p1 s17, s15;
	s14 =	ssub.s32 @!p1 s16, s14  }
0x11: {  	s18 =	smov.u32 s12;
	s16 =	sadd.s32 @!p1 $0xFFFFEC40, s15;
	s17 =	sadd.s32 @!p1 $0xFFFFF780, s14  }
0x12: {  	s15 =	ssub.s32 @!p1 $0x1440, s15;
	p2 =	sgt.s32 @!p1 s16, $0x7F;
	p3 =	sgt.s32 @!p1 s17, $0x7F  }
0x13: {  	s14 =	ssub.s32 @!p1 $0x900, s14;
	p2 =	por !p2, p1;
	p3 =	por !p3, p1  }
0x14: {  	s16 =	sadd.s32 $0x1000, s11;
	s15 =	simm.s32 @!p2 $0x0;
	s14 =	simm.s32 @!p3 $0x0  }
0x15: {  	p2 =	sgt.s32 s16, $0x143F;
	s14 =	smul.u32 @!p1 s14, s15;
	s15 =	sadd.s32 $0x80, s12  }
0x16: {  	s18 =	smov.u32 @p2 s15  }
0x17: {  	s16 =	smov.u32 @p2 s2;
	p2 =	sgt.s32 s18, $0x8FF  }
0x18: {  	s18 =	simm.s32 @p2 $0x0;
	p2 =	sne.s32 s13, s7  }
.Ltmp1:
0x19: {  	p0 =	por !p0, !p0;
	s17 =	simm.s32 @!p1 $0x2;
	(pc) =	sbr.rel @!p2 .LBB1_6-.Ltmp1, $4  }
0x1a: {  	s15 =	smov.u32 s9;
	s9 =	smov.u32 s11;
	s14 =	sand.u32 @!p1 $0x3FFFFFFF, s14  }
0x1b: {  	s11 =	smov.u32 s16;
	_ =	swait.ge @!p1 [sflag:s17], s14;
	s19 =	ssub.s32 @!p1 $0x0, s14  }
0x1c: {  	s14 =	smov.u32 s10;
	s13 =	sadd.s32 $0x1, s13;
	[sflag:s17] =	ssyncset.done @!p1 $0x0  }
0x1d: {  	s10 =	smov.u32 s12;
	s12 =	smov.u32 s18;
	[sflag:s17] =	ssyncadd.s32 @!p1 s19  }
.LBB1_1:
0x1e: {  	p1 =	sge.u32 s13, s6  }
0x1f: {  	s16 =	sshrl.u32 @!p1 s12, $0x3  }
0x20: {  	s17 =	sshll.u32 @!p1 s11, $0x3;
	s16 =	smul.u32 @!p1 $0xA400, s16  }
0x21: {  	s18 =	sshll.u32 @!p1 s12, $0x7;
	s17 =	sand.u32 @!p1 $0xFFFFFC00, s17  }
0x22: {  	s16 =	sadd.s32 @!p1 s16, s17;
	s17 =	sand.u32 @!p1 $0x380, s18  }
0x23: {  	s18 =	sand.u32 @!p1 $0x7F, s11;
	s16 =	sor.u32 @!p1 s17, s16  }
0x24: {  	s17 =	sor.u32 @!p1 s18, s16;
	s16 =	smulhi.u32 @!p1 $0xC7CE0C7D, s16  }
0x25: {  	s18 =	smulhi.u32 @!p1 $0xC7CE0C7D, s17  }
0x26: {  	s16 =	sshrl.u32 @!p1 s16, $0xC  }
0x27: {  	s18 =	sshrl.u32 @!p1 s18, $0xC;
	s19 =	smulhi.u32 @!p1 $0x1C71C8, s16  }
0x28: {  	s18 =	smul.u32 @!p1 $0x1480, s18  }
0x29: {  	s19 =	smul.u32 @!p1 $0x900, s19  }
0x2a: {  	s20 =	sxor.u32 @!p1 $0xFFFFFFFF, s13  }
0x2b: {  	s17 =	ssub.s32 @!p1 s17, s18;
	s18 =	sshll.u32 @!p1 s20, $0xE;
	s16 =	ssub.s32 @!p1 s16, s19  }
0x2c: {  	s19 =	sshrl.u32 @!p1 s17, $0x3;
	s17 =	sand.u32 @!p1 $0x7, s17;
	s16 =	smul.u32 @!p1 $0x290, s16  }
0x2d: {  	s18 =	sand.u32 @!p1 $0x4000, s18;
	s19 =	sadd.s32 @!p1 s4, s19;
	s17 =	sshll.u32 @!p1 s17, $0x12  }
0x2e: {  	s17 =	sor.u32 @!p1 $0x400, s17;
	s16 =	sadd.s32 @!p1 s16, s19;
	s19 =	simm.s32 @!p1 $0xA400  }
0x2f: {  	[tilespmem:s18], [sflag:$0x1] =	stream.strided.gather @!p1 [hbm4b:s16+s17], $0x4000, s19, s17, $0x38;
	[tilespmem:$0x10100] =	vst v63  }
0x30: {  	p1 =	seq.s32 s13, $0x0  }
0x31: {  	p2 =	sge.u32 @!p1 s13, s7  }
0x32: {  	p1 =	por p1, p2  }
.Ltmp2:
0x33: {  	_ = 	snop;
	(pc) =	sbr.rel @p1 .LBB1_5-.Ltmp2, $1  }
0x34: {  	_ =	sdelay $0x3  }
0x35: {  	s16 =	simm.s32 $0x1  }
0x36: {  	_ =	swait.ge [sflag:s3], $0x4000;
	s16 =	simm.s32 @!p0 $0x0  }
0x37: {  	[sflag:s3] =	ssyncset.done $0x0;
	s17 =	sshll.u32 s16, $0xE  }
0x38: {  	[sflag:s3] =	ssyncadd.s32 $0xFFFFC000;
	s17 =	sor.u32 $0x40, s17  }
0x39: {  	s16 =	smul.u32 $0x10200, s16;
	v0 =	vld [tilespmem:s17+$0x30]  }
0x3a: {  	v1 =	vld [tilespmem:s17+$0xFFFFFFD0]  }
0x3b: {  	s16 =	sshrl.u32 s16, $0x2;
	v5 =	vld [tilespmem:s17+$0xFFFFFFE0]  }
0x3c: {  	v6 =	vld [tilespmem:s17+$0xFFFFFFF0];
	s19 =	sor.u32 $0x8000, s16  }
0x3d: {  	s31 =	sand.u32 $0x1, s13;
	v4 =	vld [tilespmem:s17+$0x0];
	s18 =	sadd.s32 $0x0, s19  }
0x3e: {  	v3 =	vld [tilespmem:s17+$0x10];
	s16 =	smul.u32 $0x10200, s31;
	[tilespmem:s18+$0x3870 ss:$0x81] =	vst.msk $0xffff, v0  }
0x3f: {  	v2 =	vld [tilespmem:s17+$0x20];
	[tilespmem:s18+$0x810 ss:$0x81] =	vst.msk $0xffff, v1  }
0x40: {  	s16 =	sshrl.u32 s16, $0x2;
	v0 =	vld [tilespmem:s17+$0xFFFFFFC0];
	[tilespmem:s18+$0x1020 ss:$0x81] =	vst.msk $0xffff, v5;
	s17 =	sadd.s32 $0x80, s17  }
0x41: {  	s20 =	simm.s32 $0x4;
	s21 =	simm.s32 $0x8;
	s16 =	sor.u32 $0x8000, s16;
	[tilespmem:s18+$0x1830 ss:$0x81] =	vst.msk $0xffff, v6;
	v1 =	vld [tilespmem:s17+$0x30]  }
.LBB1_3:
0x42: {  	p1 =	sne.s32 s21, $0x1FC;
	v5 =	vld [tilespmem:s17+$0xFFFFFFD0];
	[tilespmem:s18+$0x2040 ss:$0x81] =	vst.msk $0xffff, v4  }
0x43: {  	v6 =	vld [tilespmem:s17+$0xFFFFFFE0];
	[tilespmem:s18+$0x2850 ss:$0x81] =	vst.msk $0xffff, v3  }
0x44: {  	s22 =	sshra.s32 s20, $0x2;
	s20 =	smov.u32 s21;
	v7 =	vld [tilespmem:s17+$0xFFFFFFF0];
	[tilespmem:s18+$0x3060 ss:$0x81] =	vst.msk $0xffff, v2  }
.Ltmp3:
0x45: {  	v4 =	vld [tilespmem:s17+$0x0];
	[tilespmem:s18+$0x0 ss:$0x81] =	vst.msk $0xffff, v0;
	s18 =	sadd.s32 s22, s19;
	(pc) =	sbr.rel @p1 .LBB1_3-.Ltmp3, $4  }
0x46: {  	v3 =	vld [tilespmem:s17+$0x10];
	[tilespmem:s18+$0x3870 ss:$0x81] =	vst.msk $0xffff, v1  }
0x47: {  	[tilespmem:s18+$0x810 ss:$0x81] =	vst.msk $0xffff, v5;
	v2 =	vld [tilespmem:s17+$0x20]  }
0x48: {  	v0 =	vld [tilespmem:s17+$0xFFFFFFC0];
	[tilespmem:s18+$0x1020 ss:$0x81] =	vst.msk $0xffff, v6;
	s17 =	sadd.s32 $0x80, s17  }
0x49: {  	s21 =	sadd.s32 $0x4, s21;
	v1 =	vld [tilespmem:s17+$0x30];
	[tilespmem:s18+$0x1830 ss:$0x81] =	vst.msk $0xffff, v7  }
0x4a: {  	s21 =	sshrl.u32 s9, $0x3  }
0x4b: {  	s22 =	sshll.u32 s10, $0x3;
	s23 =	sshll.u32 s9, $0x7;
	s20 =	sshra.s32 s20, $0x2  }
0x4c: {  	s29 =	sand.u32 $0x7F, s10;
	p1 =	sgt.s32 s9, $0x13C0;
	s21 =	smul.u32 $0x4800, s21  }
0x4d: {  	s24 =	sshra.s32 s9, $0x1F;
	s25 =	sshra.s32 s10, $0x1F;
	s22 =	sand.u32 $0xFFFFFC00, s22  }
0x4e: {  	s28 =	sand.u32 $0x380, s23;
	s23 =	smov.u32 s9;
	s21 =	sadd.s32 s22, s21  }
0x4f: {  	s24 =	sand.u32 s24, s9;
	s25 =	sand.u32 s25, s10;
	s21 =	sor.u32 s28, s21  }
0x50: {  	v5 =	vld [tilespmem:s17+$0xFFFFFFD0];
	s23 =	simm.s32 @!p1 $0x13C0;
	s30 =	sor.u32 s29, s21;
	s21 =	smulhi.u32 $0x38E38E39, s21  }
0x51: {  	[tilespmem:s18+$0x2040 ss:$0x81] =	vst.msk $0xffff, v4;
	v58 =	vld [tilespmem:s17+$0xFFFFFFE0];
	p1 =	sgt.s32 s10, $0x880;
	s23 =	ssub.s32 s23, s24;
	s24 =	smov.u32 s10  }
0x52: {  	[tilespmem:s18+$0x2850 ss:$0x81] =	vst.msk $0xffff, v3;
	s24 =	simm.s32 @!p1 $0x880;
	s31 =	smulhi.u32 $0x38E38E39, s30;
	s21 =	sshrl.u32 s21, $0x9  }
0x53: {  	v59 =	vld [tilespmem:s17+$0xFFFFFFF0];
	[tilespmem:s18+$0x3060 ss:$0x81] =	vst.msk $0xffff, v2;
	s27 =	sadd.s32 $0xFFFFEC40, s23;
	s24 =	ssub.s32 s24, s25;
	s26 =	smulhi.u32 $0x1948B1, s21  }
0x54: {  	v60 =	vld [tilespmem:s17+$0x0];
	s19 =	sadd.s32 s20, s19;
	[tilespmem:s18+$0x0 ss:$0x81] =	vst.msk $0xffff, v0;
	p1 =	sgt.s32 s27, $0x7F;
	s28 =	sadd.s32 $0xFFFFF780, s24  }
0x55: {  	v61 =	vld [tilespmem:s17+$0x10];
	[tilespmem:s19+$0x3870 ss:$0x81] =	vst.msk $0xffff, v1;
	p2 =	sgt.s32 s28, $0x7F;
	s22 =	sshrl.u32 s31, $0x9;
	s18 =	sshrl.u32 s26, $0x1  }
0x56: {  	v62 =	vld [tilespmem:s17+$0x20];
	[tilespmem:s19+$0x810 ss:$0x81] =	vst.msk $0xffff, v5;
	s29 =	smul.u32 $0x1440, s18;
	s18 =	ssub.s32 $0x1440, s23;
	s23 =	ssub.s32 $0x900, s24  }
0x57: {  	v63 =	vld [tilespmem:s17+$0xFFFFFFC0];
	[tilespmem:s19+$0x1020 ss:$0x81] =	vst.msk $0xffff, v58;
	s22 =	smul.u32 $0x900, s22;
	s18 =	simm.s32 @p1 $0x0;
	s23 =	simm.s32 @p2 $0x0  }
0x58: {  	[tilespmem:s19+$0x1830 ss:$0x81] =	vst.msk $0xffff, v59;
	s18 =	smul.u32 s23, s18  }
.Ltmp4:
0x59: {  	[tilespmem:s19+$0x2040 ss:$0x81] =	vst.msk $0xffff, v60;
	s20 =	ssub.s32 s30, s22;
	s17 =	ssub.s32 s21, s29;
	(pc) =	sbr.rel .LBB1_5-.Ltmp4, $4  }
0x5a: {  	[tilespmem:s19+$0x2850 ss:$0x81] =	vst.msk $0xffff, v61;
	s30 =	sshrl.u32 s20, $0x3;
	s20 =	sand.u32 $0x7, s20;
	s17 =	smul.u32 $0x120, s17  }
0x5b: {  	[tilespmem:s19+$0x3060 ss:$0x81] =	vst.msk $0xffff, v62;
	s21 =	sadd.s32 s5, s30;
	s20 =	sshll.u32 s20, $0x12  }
0x5c: {  	[tilespmem:s19+$0x0 ss:$0x81] =	vst.msk $0xffff, v63;
	s31 =	sor.u32 $0x400, s20;
	s18 =	sand.u32 $0x3FFFFFFF, s18;
	s17 =	sadd.s32 s17, s21  }
0x5d: {  	[hbm4b:s17+s31] =	stream.strided.scatter [tilespmem:s16], [sflag:$0x2], s18, s8, s31, $0x20;
	[tilespmem:$0x10100] =	vst v63  }
.LBB1_6:
0x5e: {  	_ =	sfence.sel $0x180000  }
0x5f: {  	s2 =	simm.s32 $0x1;
	[bflag:$0x0] =	sbarrier.arrive $0xFFFF  }
0x60: {  	s31 =	simm.s32 $0x2;
	[sflag:s2] =	ssyncpa.u1 $0x1  }
0x61: {  	[sflag:s31] =	ssyncpa.u1 $0x1  }
0x62: {  	p0 =	sne.s32 s0, $0x0;
	_ =	strace $0x9000004D  }
0x63: {  	s0 =	sadd.s32 @!p0 $0x100000, s1;
	[bflag:$0x2] =	sbarrier.arrive $0xFFFF  }
0x64: {  	[sflag:s0] =	ssyncadd.tile.s32 @!p0 $0x1;
	_ =	shalt  }
.Lfunc_end1:
_tile_overlayer_lowered:
.L_overlay_start_2:
0x65: {  	(tag) =	ssettag $0x2  }
0x66: {  	s0 =	rddreg [dreg:$0x0];
	s2 =	stileid.u32  }
0x67: {  	s1 =	rddreg [dreg:$0x1];
	p0 =	sne.s32 s2, $0x0  }
0x68: {  	s3 =	rddreg [dreg:$0x2];
	[bflag:$0x3] =	sbarrier.arrive $0xFFFF;
	s2 =	simm.s32 @!p0 $0x1C01  }
0x69: {  	[timem:s3], [sflag:s2] =	dma.local @!p0 [hbm:s0], s1  }
0x6a: {  	s0 =	simm.s32 @!p0 $0x1  }
0x6b: {  	_ =	swait.ge @!p0 [sflag:s0], s1  }
0x6c: {  	s1 =	ssub.s32 @!p0 $0x0, s1;
	[sflag:s0] =	ssyncset.done @!p0 $0x0  }
0x6d: {  	[sflag:s0] =	ssyncadd.s32 @!p0 s1  }
0x6e: {  	[bflag:$0x3] =	sbarrier.arrive $0xFFFF  }
0x6f: {  	_ =	shalt  }

</sc_bundles>
